<compile_context>
chip_gen: v7x
topology: tpu7x:2x2x1
jax: 0.10.2.dev20260603
libtpu: 0.0.44.dev20260713+nightly
codegen_flags: <defaults>
</compile_context>

<pallas_src>
import functools

import jax
import jax.numpy as jnp
from jax import lax
from jax.experimental import pallas as pl
from jax.experimental.pallas import tpu as pltpu
from jax.experimental.pallas import tpu_sc as plsc

_N = 16384
_C = 1000
_NC = 2
_NS = 16
_NW = _NC * _NS
_RPW = _N // _NW
_RCH = 16
_NCH = _RPW // _RCH
_K = max(1, int(_N * 0.7))

@functools.cache
def _build_sc_stage():
    mesh = plsc.VectorSubcoreMesh(core_axis_name="c", subcore_axis_name="s",
                                  num_cores=_NC, num_subcores=_NS)
    return functools.partial(
        pl.kernel,
        out_type=(jax.ShapeDtypeStruct((_N,), jnp.float32),
                  jax.ShapeDtypeStruct((_N,), jnp.float32),
                  jax.ShapeDtypeStruct((_N,), jnp.float32)),
        mesh=mesh,
        compiler_params=pltpu.CompilerParams(needs_layout_passes=False),
        scratch_types=[
            pltpu.VMEM((_RCH, _C), jnp.float32),
            pltpu.VMEM((_RCH, _C), jnp.float32),
            pltpu.VMEM((_RPW,), jnp.int32),
            pltpu.VMEM((_RPW,), jnp.float32),
            pltpu.VMEM((_RPW,), jnp.float32),
            pltpu.VMEM((_RPW,), jnp.float32),
            pltpu.SemaphoreType.DMA,
            pltpu.SemaphoreType.DMA,
        ],
    )(_sc_body)


def _tree_reduce(op, xs):
    while len(xs) > 1:
        xs = [op(xs[2 * i], xs[2 * i + 1]) for i in range(len(xs) // 2)]
    return xs[0]


_UNROLL = 8


def _sc_body(x_hbm, tgt_hbm, m_hbm, s_hbm, g_hbm, buf0, buf1, tgt_v,
             m_v, s_v, g_v, sem0, sem1):
    wid = lax.axis_index("s") * _NC + lax.axis_index("c")
    row0 = wid * _RPW
    pltpu.sync_copy(tgt_hbm.at[pl.ds(row0, _RPW)], tgt_v)
    lanes = lax.broadcasted_iota(jnp.int32, (16,), 0)

    def chunk_slice(k):
        return x_hbm.at[pl.ds(row0 + k * _RCH, _RCH), :]

    def col(c):
        return jnp.full((16,), c, jnp.int32)

    def compute(buf, k):
        mx_init = tuple(plsc.load_gather(buf, [lanes, col(u)])
                        for u in range(_UNROLL))

        def max_body(c, mx):
            xs = [plsc.load_gather(buf, [lanes, col(c + u)])
                  for u in range(_UNROLL)]
            return tuple(jnp.maximum(m, x) for m, x in zip(mx, xs))

        mxs = plsc.parallel_loop(_UNROLL, _C, _UNROLL, carry=mx_init)(max_body)
        m_vec = _tree_reduce(jnp.maximum, list(mxs))

        def sum_body(c, accs):
            a0, a1 = accs
            es = [jnp.exp(plsc.load_gather(buf, [lanes, col(c + u)]) - m_vec)
                  for u in range(_UNROLL)]
            h = _UNROLL // 2
            a0 = a0 + _tree_reduce(jnp.add, es[:h])
            a1 = a1 + _tree_reduce(jnp.add, es[h:])
            return (a0, a1)

        zero = jnp.zeros((16,), jnp.float32)
        a0, a1 = plsc.parallel_loop(0, _C, _UNROLL, carry=(zero, zero))(sum_body)
        s_vec = a0 + a1

        tcol = tgt_v[pl.ds(k * _RCH, _RCH)]
        g_vec = plsc.load_gather(buf, [lanes, tcol])

        m_v[pl.ds(k * _RCH, _RCH)] = m_vec
        s_v[pl.ds(k * _RCH, _RCH)] = s_vec
        g_v[pl.ds(k * _RCH, _RCH)] = g_vec

    pltpu.async_copy(chunk_slice(0), buf0, sem0)

    def pair_body(k2, _):
        c0 = 2 * k2
        pltpu.make_async_copy(chunk_slice(c0), buf0, sem0).wait()
        pltpu.async_copy(chunk_slice(c0 + 1), buf1, sem1)
        compute(buf0, c0)
        pltpu.make_async_copy(chunk_slice(c0 + 1), buf1, sem1).wait()

        @pl.when(k2 + 1 < _NCH // 2)
        def _():
            pltpu.async_copy(chunk_slice(c0 + 2), buf0, sem0)

        compute(buf1, c0 + 1)
        return 0

    lax.fori_loop(0, _NCH // 2, pair_body, 0)
    pltpu.sync_copy(m_v, m_hbm.at[pl.ds(row0, _RPW)])
    pltpu.sync_copy(s_v, s_hbm.at[pl.ds(row0, _RPW)])
    pltpu.sync_copy(g_v, g_hbm.at[pl.ds(row0, _RPW)])


def _tc_body(m_ref, s_ref, g_ref, loss_ref, mask_ref):
    m = m_ref[...]
    s = s_ref[...]
    g = g_ref[...]
    ce = m + jnp.log(s) - g
    pt = jnp.exp(-ce)
    focal = 0.25 * (1.0 - pt) ** 2 * ce
    u = lax.bitcast_convert_type(focal, jnp.int32)

    def bit_body(i, th):
        cand = th | (jnp.int32(1) << (30 - i))
        cnt = jnp.sum((u >= cand).astype(jnp.int32))
        return lax.select(cnt >= _K, cand, th)

    th = lax.fori_loop(0, 31, bit_body, jnp.int32(0))
    thf = lax.bitcast_convert_type(th, jnp.float32)
    mask = focal >= thf
    maskf = mask.astype(jnp.float32)
    ksum = jnp.sum(jnp.where(mask, focal, 0.0))
    kcnt = jnp.sum(maskf)
    loss_ref[0, 0] = ksum / kcnt
    mask_ref[...] = maskf


def _tc_stage(m, s, g):
    return pl.pallas_call(
        _tc_body,
        out_shape=(jax.ShapeDtypeStruct((1, 1), jnp.float32),
                   jax.ShapeDtypeStruct((128, 128), jnp.float32)),
        in_specs=[pl.BlockSpec(memory_space=pltpu.VMEM)] * 3,
        out_specs=(pl.BlockSpec(memory_space=pltpu.SMEM),
                   pl.BlockSpec(memory_space=pltpu.VMEM)),
    )(m, s, g)


def kernel(inputs, targets):
    m, s, g = _build_sc_stage()(inputs, targets)
    loss, maskf = _tc_stage(m.reshape(128, 128), s.reshape(128, 128),
                            g.reshape(128, 128))
    return (loss.reshape(()), maskf.reshape(-1).astype(bool))

# --- scband reference (transcript-rebuilt; emitter-appended) ---
"""Pipeline reference for scband-ohemfocal-loss-32856499814470 (READ-ONLY COPY).

The authoritative reference and input builder live on the scoring server;
editing this copy changes nothing except your own understanding.
"""

import jax, jax.numpy as jnp
import numpy as np

ALPHA = 0.25
GAMMA = 2.0
OHEM_RATIO = 0.7
N = 16384
NUM_CLASSES = 1000


def setup_inputs(seed: int = 0) -> dict:
    key = jax.random.key(seed)
    k1, k2 = jax.random.split(key)
    inputs = jax.random.normal(k1, (N, NUM_CLASSES), dtype=jnp.float32)
    targets = jax.random.randint(k2, (N,), 0, NUM_CLASSES, dtype=jnp.int32)
    return {"inputs": inputs, "targets": targets}


def reference(inputs, targets):
    # cross_entropy with reduction='none'
    lse = jax.nn.logsumexp(inputs, axis=1)
    tgt_logit = jnp.take_along_axis(inputs, targets[:, None].astype(jnp.int32), axis=1)[:, 0]
    ce_loss = lse - tgt_logit
    # focal loss
    pt = jnp.exp(-ce_loss)
    focal_loss = ALPHA * (1.0 - pt) ** GAMMA * ce_loss
    num_samples = focal_loss.shape[0]
    num_keep = max(1, int(num_samples * OHEM_RATIO))
    # sort descending
    sorted_loss = -jnp.sort(-focal_loss)
    threshold = sorted_loss[num_keep - 1]
    keep_mask = focal_loss >= threshold
    # mean over kept samples (equivalent to focal_loss[keep_mask].mean())
    kept_sum = jnp.sum(jnp.where(keep_mask, focal_loss, 0.0))
    kept_cnt = jnp.sum(keep_mask.astype(jnp.float32))
    ohem_loss = kept_sum / kept_cnt
    return (ohem_loss, keep_mask)

if __name__ == "__main__":
    import jax
    _d = setup_inputs()
    print(jax.jit(kernel)(*tuple(_d.values())))

</pallas_src>

<mosaic_0001>
#map = affine_map<(d0, d1) -> (0, 0)>
#map1 = affine_map<(d0, d1) -> (0)>
module attributes {stable_mosaic.version = 14 : i64} {
  func.func @_sc_body(%arg0: i32, %arg1: i32, %arg2: memref<16384x1000xf32, #tpu.memory_space<hbm>>, %arg3: memref<16384xi32, #tpu.memory_space<hbm>>, %arg4: memref<16384xf32, #tpu.memory_space<hbm>>, %arg5: memref<16384xf32, #tpu.memory_space<hbm>>, %arg6: memref<16384xf32, #tpu.memory_space<hbm>>, %arg7: memref<16x1000xf32, #tpu.memory_space<vmem>>, %arg8: memref<16x1000xf32, #tpu.memory_space<vmem>>, %arg9: memref<512xi32, #tpu.memory_space<vmem>>, %arg10: memref<512xf32, #tpu.memory_space<vmem>>, %arg11: memref<512xf32, #tpu.memory_space<vmem>>, %arg12: memref<512xf32, #tpu.memory_space<vmem>>, %arg13: memref<!tpu.dma_semaphore, #tpu.memory_space<semaphore_mem>>, %arg14: memref<!tpu.dma_semaphore, #tpu.memory_space<semaphore_mem>>) attributes {dimension_semantics = [#tpu.dimension_semantics<core_parallel>, #tpu.dimension_semantics<subcore_parallel>], iteration_bounds = array<i64: 2, 16>, scalar_prefetch = 0 : i64, scratch_operands = 8 : i64, tpu.core_type = #tpu.core_type<sc_vector_subcore>, window_params = [{transform_indices = #map}, {transform_indices = #map1}, {transform_indices = #map1}, {transform_indices = #map1}, {transform_indices = #map1}]} {
    %mul3A = arith.constant 2 : i32
    %mul3A_0 = arith.muli %arg1, %mul3A : i32
    %add3A = arith.addi %mul3A_0, %arg0 : i32
    %mul3A_1 = arith.constant 512 : i32
    %mul3A_2 = arith.muli %add3A, %mul3A_1 : i32
    "tpu.region"() ({
      %run_scoped3A = tpu.sem_alloc : memref<!tpu.dma_semaphore, #tpu.memory_space<semaphore_mem>>
      %dma_start3A_14 = tpu.memref_slice %arg3[%mul3A_2] : memref<16384xi32, #tpu.memory_space<hbm>> -> memref<512xi32, #tpu.memory_space<hbm>>
      %dma_start3A_15 = tpu.memref_slice %arg3[%mul3A_2] : memref<16384xi32, #tpu.memory_space<hbm>> -> memref<512xi32, #tpu.memory_space<hbm>>
      tpu.enqueue_dma source(%dma_start3A_15 : memref<512xi32, #tpu.memory_space<hbm>>) target(%arg9 : memref<512xi32, #tpu.memory_space<vmem>>) target_semaphore(%run_scoped3A : memref<!tpu.dma_semaphore, #tpu.memory_space<semaphore_mem>>)
      %dma_wait3A = tpu.memref_slice %arg3[%mul3A_2] : memref<16384xi32, #tpu.memory_space<hbm>> -> memref<512xi32, #tpu.memory_space<hbm>>
      %dma_wait3A_16 = tpu.memref_slice %arg3[%mul3A_2] : memref<16384xi32, #tpu.memory_space<hbm>> -> memref<512xi32, #tpu.memory_space<hbm>>
      tpu.wait_dma2 semaphore(%run_scoped3A : memref<!tpu.dma_semaphore, #tpu.memory_space<semaphore_mem>>) src(%dma_wait3A_16 : memref<512xi32, #tpu.memory_space<hbm>>) dst(%arg9 : memref<512xi32, #tpu.memory_space<vmem>>)
      tpu.yield
    }) : () -> ()
    %iota3A = tpu.iota {dimensions = array<i32: 0>} : vector<16xi32>
    %add3A_3 = arith.constant 0 : i32
    %add3A_4 = arith.addi %mul3A_2, %add3A_3 : i32
    %dma_start3A = arith.constant 0 : i32
    %dma_start3A_5 = tpu.memref_slice %arg2[%add3A_4, %dma_start3A] : memref<16384x1000xf32, #tpu.memory_space<hbm>> -> memref<16x1000xf32, #tpu.memory_space<hbm>>
    %dma_start3A_6 = arith.constant 0 : i32
    %dma_start3A_7 = tpu.memref_slice %arg2[%add3A_4, %dma_start3A_6] : memref<16384x1000xf32, #tpu.memory_space<hbm>> -> memref<16x1000xf32, #tpu.memory_space<hbm>>
    tpu.enqueue_dma source(%dma_start3A_7 : memref<16x1000xf32, #tpu.memory_space<hbm>>) target(%arg7 : memref<16x1000xf32, #tpu.memory_space<vmem>>) target_semaphore(%arg13 : memref<!tpu.dma_semaphore, #tpu.memory_space<semaphore_mem>>)
    %scan3A = arith.constant 0 : i32
    %scan3A_8 = arith.constant 0 : i32
    %scan3A_9 = arith.constant 16 : i32
    %scan3A_10 = arith.addi %scan3A_8, %scan3A_9 : i32
    %scan3A_11 = arith.constant 1 : i32
    %scan3A_12 = scf.for %scan3A_14 = %scan3A_8 to %scan3A_10 step %scan3A_11 iter_args(%scan3A_15 = %scan3A) -> (i32)  : i32 {
      %mul3A_16 = arith.constant 2 : i32
      %mul3A_17 = arith.muli %mul3A_16, %scan3A_14 : i32
      %mul3A_18 = arith.constant 16 : i32
      %mul3A_19 = arith.muli %mul3A_17, %mul3A_18 : i32
      %add3A_20 = arith.addi %mul3A_2, %mul3A_19 : i32
      %dma_wait3A = arith.constant 0 : i32
      %dma_wait3A_21 = tpu.memref_slice %arg2[%add3A_20, %dma_wait3A] : memref<16384x1000xf32, #tpu.memory_space<hbm>> -> memref<16x1000xf32, #tpu.memory_space<hbm>>
      %dma_wait3A_22 = arith.constant 0 : i32
      %dma_wait3A_23 = tpu.memref_slice %arg2[%add3A_20, %dma_wait3A_22] : memref<16384x1000xf32, #tpu.memory_space<hbm>> -> memref<16x1000xf32, #tpu.memory_space<hbm>>
      tpu.wait_dma2 semaphore(%arg13 : memref<!tpu.dma_semaphore, #tpu.memory_space<semaphore_mem>>) src(%dma_wait3A_23 : memref<16x1000xf32, #tpu.memory_space<hbm>>) dst(%arg7 : memref<16x1000xf32, #tpu.memory_space<vmem>>)
      %add3A_24 = arith.constant 1 : i32
      %add3A_25 = arith.addi %mul3A_17, %add3A_24 : i32
      %mul3A_26 = arith.constant 16 : i32
      %mul3A_27 = arith.muli %add3A_25, %mul3A_26 : i32
      %add3A_28 = arith.addi %mul3A_2, %mul3A_27 : i32
      %dma_start3A_29 = arith.constant 0 : i32
      %dma_start3A_30 = tpu.memref_slice %arg2[%add3A_28, %dma_start3A_29] : memref<16384x1000xf32, #tpu.memory_space<hbm>> -> memref<16x1000xf32, #tpu.memory_space<hbm>>
      %dma_start3A_31 = arith.constant 0 : i32
      %dma_start3A_32 = tpu.memref_slice %arg2[%add3A_28, %dma_start3A_31] : memref<16384x1000xf32, #tpu.memory_space<hbm>> -> memref<16x1000xf32, #tpu.memory_space<hbm>>
      tpu.enqueue_dma source(%dma_start3A_32 : memref<16x1000xf32, #tpu.memory_space<hbm>>) target(%arg8 : memref<16x1000xf32, #tpu.memory_space<vmem>>) target_semaphore(%arg14 : memref<!tpu.dma_semaphore, #tpu.memory_space<semaphore_mem>>)
      %broadcast_in_dim3A = arith.constant 0 : i32
      %broadcast_in_dim3A_33 = vector.broadcast %broadcast_in_dim3A : i32 to vector<16xi32>
      %gather3A = tpu.vector_load_idx %arg7[%iota3A, %broadcast_in_dim3A_33] : memref<16x1000xf32, #tpu.memory_space<vmem>>[vector<16xi32>, vector<16xi32>], vector<16xf32>,
      %broadcast_in_dim3A_34 = arith.constant 1 : i32
      %broadcast_in_dim3A_35 = vector.broadcast %broadcast_in_dim3A_34 : i32 to vector<16xi32>
      %gather3A_36 = tpu.vector_load_idx %arg7[%iota3A, %broadcast_in_dim3A_35] : memref<16x1000xf32, #tpu.memory_space<vmem>>[vector<16xi32>, vector<16xi32>], vector<16xf32>,
      %broadcast_in_dim3A_37 = arith.constant 2 : i32
      %broadcast_in_dim3A_38 = vector.broadcast %broadcast_in_dim3A_37 : i32 to vector<16xi32>
      %gather3A_39 = tpu.vector_load_idx %arg7[%iota3A, %broadcast_in_dim3A_38] : memref<16x1000xf32, #tpu.memory_space<vmem>>[vector<16xi32>, vector<16xi32>], vector<16xf32>,
      %broadcast_in_dim3A_40 = arith.constant 3 : i32
      %broadcast_in_dim3A_41 = vector.broadcast %broadcast_in_dim3A_40 : i32 to vector<16xi32>
      %gather3A_42 = tpu.vector_load_idx %arg7[%iota3A, %broadcast_in_dim3A_41] : memref<16x1000xf32, #tpu.memory_space<vmem>>[vector<16xi32>, vector<16xi32>], vector<16xf32>,
      %broadcast_in_dim3A_43 = arith.constant 4 : i32
      %broadcast_in_dim3A_44 = vector.broadcast %broadcast_in_dim3A_43 : i32 to vector<16xi32>
      %gather3A_45 = tpu.vector_load_idx %arg7[%iota3A, %broadcast_in_dim3A_44] : memref<16x1000xf32, #tpu.memory_space<vmem>>[vector<16xi32>, vector<16xi32>], vector<16xf32>,
      %broadcast_in_dim3A_46 = arith.constant 5 : i32
      %broadcast_in_dim3A_47 = vector.broadcast %broadcast_in_dim3A_46 : i32 to vector<16xi32>
      %gather3A_48 = tpu.vector_load_idx %arg7[%iota3A, %broadcast_in_dim3A_47] : memref<16x1000xf32, #tpu.memory_space<vmem>>[vector<16xi32>, vector<16xi32>], vector<16xf32>,
      %broadcast_in_dim3A_49 = arith.constant 6 : i32
      %broadcast_in_dim3A_50 = vector.broadcast %broadcast_in_dim3A_49 : i32 to vector<16xi32>
      %gather3A_51 = tpu.vector_load_idx %arg7[%iota3A, %broadcast_in_dim3A_50] : memref<16x1000xf32, #tpu.memory_space<vmem>>[vector<16xi32>, vector<16xi32>], vector<16xf32>,
      %broadcast_in_dim3A_52 = arith.constant 7 : i32
      %broadcast_in_dim3A_53 = vector.broadcast %broadcast_in_dim3A_52 : i32 to vector<16xi32>
      %gather3A_54 = tpu.vector_load_idx %arg7[%iota3A, %broadcast_in_dim3A_53] : memref<16x1000xf32, #tpu.memory_space<vmem>>[vector<16xi32>, vector<16xi32>], vector<16xf32>,
      %parallel_loop3A = arith.constant 8 : i32
      %parallel_loop3A_55 = arith.constant 1000 : i32
      %parallel_loop3A_56 = arith.constant 8 : i32
      %parallel_loop3A_57:8 = scf.for %parallel_loop3A_161 = %parallel_loop3A to %parallel_loop3A_55 step %parallel_loop3A_56 iter_args(%parallel_loop3A_162 = %gather3A, %parallel_loop3A_163 = %gather3A_36, %parallel_loop3A_164 = %gather3A_39, %parallel_loop3A_165 = %gather3A_42, %parallel_loop3A_166 = %gather3A_45, %parallel_loop3A_167 = %gather3A_48, %parallel_loop3A_168 = %gather3A_51, %parallel_loop3A_169 = %gather3A_54) -> (vector<16xf32>, vector<16xf32>, vector<16xf32>, vector<16xf32>, vector<16xf32>, vector<16xf32>, vector<16xf32>, vector<16xf32>)  : i32 {
        %parallel_loop3A_170 = arith.constant 0 : i32
        %parallel_loop3A_171 = arith.addi %parallel_loop3A_161, %parallel_loop3A_170 : i32
        %parallel_loop3A_172 = vector.broadcast %parallel_loop3A_171 : i32 to vector<16xi32>
        %parallel_loop3A_173 = tpu.vector_load_idx %arg7[%iota3A, %parallel_loop3A_172] : memref<16x1000xf32, #tpu.memory_space<vmem>>[vector<16xi32>, vector<16xi32>], vector<16xf32>,
        %parallel_loop3A_174 = arith.constant 1 : i32
        %parallel_loop3A_175 = arith.addi %parallel_loop3A_161, %parallel_loop3A_174 : i32
        %parallel_loop3A_176 = vector.broadcast %parallel_loop3A_175 : i32 to vector<16xi32>
        %parallel_loop3A_177 = tpu.vector_load_idx %arg7[%iota3A, %parallel_loop3A_176] : memref<16x1000xf32, #tpu.memory_space<vmem>>[vector<16xi32>, vector<16xi32>], vector<16xf32>,
        %parallel_loop3A_178 = arith.constant 2 : i32
        %parallel_loop3A_179 = arith.addi %parallel_loop3A_161, %parallel_loop3A_178 : i32
        %parallel_loop3A_180 = vector.broadcast %parallel_loop3A_179 : i32 to vector<16xi32>
        %parallel_loop3A_181 = tpu.vector_load_idx %arg7[%iota3A, %parallel_loop3A_180] : memref<16x1000xf32, #tpu.memory_space<vmem>>[vector<16xi32>, vector<16xi32>], vector<16xf32>,
        %parallel_loop3A_182 = arith.constant 3 : i32
        %parallel_loop3A_183 = arith.addi %parallel_loop3A_161, %parallel_loop3A_182 : i32
        %parallel_loop3A_184 = vector.broadcast %parallel_loop3A_183 : i32 to vector<16xi32>
        %parallel_loop3A_185 = tpu.vector_load_idx %arg7[%iota3A, %parallel_loop3A_184] : memref<16x1000xf32, #tpu.memory_space<vmem>>[vector<16xi32>, vector<16xi32>], vector<16xf32>,
        %parallel_loop3A_186 = arith.constant 4 : i32
        %parallel_loop3A_187 = arith.addi %parallel_loop3A_161, %parallel_loop3A_186 : i32
        %parallel_loop3A_188 = vector.broadcast %parallel_loop3A_187 : i32 to vector<16xi32>
        %parallel_loop3A_189 = tpu.vector_load_idx %arg7[%iota3A, %parallel_loop3A_188] : memref<16x1000xf32, #tpu.memory_space<vmem>>[vector<16xi32>, vector<16xi32>], vector<16xf32>,
        %parallel_loop3A_190 = arith.constant 5 : i32
        %parallel_loop3A_191 = arith.addi %parallel_loop3A_161, %parallel_loop3A_190 : i32
        %parallel_loop3A_192 = vector.broadcast %parallel_loop3A_191 : i32 to vector<16xi32>
        %parallel_loop3A_193 = tpu.vector_load_idx %arg7[%iota3A, %parallel_loop3A_192] : memref<16x1000xf32, #tpu.memory_space<vmem>>[vector<16xi32>, vector<16xi32>], vector<16xf32>,
        %parallel_loop3A_194 = arith.constant 6 : i32
        %parallel_loop3A_195 = arith.addi %parallel_loop3A_161, %parallel_loop3A_194 : i32
        %parallel_loop3A_196 = vector.broadcast %parallel_loop3A_195 : i32 to vector<16xi32>
        %parallel_loop3A_197 = tpu.vector_load_idx %arg7[%iota3A, %parallel_loop3A_196] : memref<16x1000xf32, #tpu.memory_space<vmem>>[vector<16xi32>, vector<16xi32>], vector<16xf32>,
        %parallel_loop3A_198 = arith.constant 7 : i32
        %parallel_loop3A_199 = arith.addi %parallel_loop3A_161, %parallel_loop3A_198 : i32
        %parallel_loop3A_200 = vector.broadcast %parallel_loop3A_199 : i32 to vector<16xi32>
        %parallel_loop3A_201 = tpu.vector_load_idx %arg7[%iota3A, %parallel_loop3A_200] : memref<16x1000xf32, #tpu.memory_space<vmem>>[vector<16xi32>, vector<16xi32>], vector<16xf32>,
        %parallel_loop3A_202 = arith.maximumf %parallel_loop3A_162, %parallel_loop3A_173 : vector<16xf32>
        %parallel_loop3A_203 = arith.maximumf %parallel_loop3A_163, %parallel_loop3A_177 : vector<16xf32>
        %parallel_loop3A_204 = arith.maximumf %parallel_loop3A_164, %parallel_loop3A_181 : vector<16xf32>
        %parallel_loop3A_205 = arith.maximumf %parallel_loop3A_165, %parallel_loop3A_185 : vector<16xf32>
        %parallel_loop3A_206 = arith.maximumf %parallel_loop3A_166, %parallel_loop3A_189 : vector<16xf32>
        %parallel_loop3A_207 = arith.maximumf %parallel_loop3A_167, %parallel_loop3A_193 : vector<16xf32>
        %parallel_loop3A_208 = arith.maximumf %parallel_loop3A_168, %parallel_loop3A_197 : vector<16xf32>
        %parallel_loop3A_209 = arith.maximumf %parallel_loop3A_169, %parallel_loop3A_201 : vector<16xf32>
        scf.yield %parallel_loop3A_202, %parallel_loop3A_203, %parallel_loop3A_204, %parallel_loop3A_205, %parallel_loop3A_206, %parallel_loop3A_207, %parallel_loop3A_208, %parallel_loop3A_209 : vector<16xf32>, vector<16xf32>, vector<16xf32>, vector<16xf32>, vector<16xf32>, vector<16xf32>, vector<16xf32>, vector<16xf32>
      } {sc.loop_unroll_factor = 1 : i64, sc.parallel_access}
      %max3A = arith.maximumf %parallel_loop3A_57#0, %parallel_loop3A_57#1 : vector<16xf32>
      %max3A_58 = arith.maximumf %parallel_loop3A_57#2, %parallel_loop3A_57#3 : vector<16xf32>
      %max3A_59 = arith.maximumf %parallel_loop3A_57#4, %parallel_loop3A_57#5 : vector<16xf32>
      %max3A_60 = arith.maximumf %parallel_loop3A_57#6, %parallel_loop3A_57#7 : vector<16xf32>
      %max3A_61 = arith.maximumf %max3A, %max3A_58 : vector<16xf32>
      %max3A_62 = arith.maximumf %max3A_59, %max3A_60 : vector<16xf32>
      %max3A_63 = arith.maximumf %max3A_61, %max3A_62 : vector<16xf32>
      %broadcast_in_dim3A_64 = arith.constant 0.000000e+00 : f32
      %broadcast_in_dim3A_65 = vector.broadcast %broadcast_in_dim3A_64 : f32 to vector<16xf32>
      %parallel_loop3A_66 = arith.constant 0 : i32
      %parallel_loop3A_67 = arith.constant 1000 : i32
      %parallel_loop3A_68 = arith.constant 8 : i32
      %parallel_loop3A_69:2 = scf.for %parallel_loop3A_161 = %parallel_loop3A_66 to %parallel_loop3A_67 step %parallel_loop3A_68 iter_args(%parallel_loop3A_162 = %broadcast_in_dim3A_65, %parallel_loop3A_163 = %broadcast_in_dim3A_65) -> (vector<16xf32>, vector<16xf32>)  : i32 {
        %parallel_loop3A_164 = arith.constant 0 : i32
        %parallel_loop3A_165 = arith.addi %parallel_loop3A_161, %parallel_loop3A_164 : i32
        %parallel_loop3A_166 = vector.broadcast %parallel_loop3A_165 : i32 to vector<16xi32>
        %parallel_loop3A_167 = tpu.vector_load_idx %arg7[%iota3A, %parallel_loop3A_166] : memref<16x1000xf32, #tpu.memory_space<vmem>>[vector<16xi32>, vector<16xi32>], vector<16xf32>,
        %parallel_loop3A_168 = arith.subf %parallel_loop3A_167, %max3A_63 : vector<16xf32>
        %parallel_loop3A_169 = math.exp %parallel_loop3A_168 : vector<16xf32>
        %parallel_loop3A_170 = arith.constant 1 : i32
        %parallel_loop3A_171 = arith.addi %parallel_loop3A_161, %parallel_loop3A_170 : i32
        %parallel_loop3A_172 = vector.broadcast %parallel_loop3A_171 : i32 to vector<16xi32>
        %parallel_loop3A_173 = tpu.vector_load_idx %arg7[%iota3A, %parallel_loop3A_172] : memref<16x1000xf32, #tpu.memory_space<vmem>>[vector<16xi32>, vector<16xi32>], vector<16xf32>,
        %parallel_loop3A_174 = arith.subf %parallel_loop3A_173, %max3A_63 : vector<16xf32>
        %parallel_loop3A_175 = math.exp %parallel_loop3A_174 : vector<16xf32>
        %parallel_loop3A_176 = arith.constant 2 : i32
        %parallel_loop3A_177 = arith.addi %parallel_loop3A_161, %parallel_loop3A_176 : i32
        %parallel_loop3A_178 = vector.broadcast %parallel_loop3A_177 : i32 to vector<16xi32>
        %parallel_loop3A_179 = tpu.vector_load_idx %arg7[%iota3A, %parallel_loop3A_178] : memref<16x1000xf32, #tpu.memory_space<vmem>>[vector<16xi32>, vector<16xi32>], vector<16xf32>,
        %parallel_loop3A_180 = arith.subf %parallel_loop3A_179, %max3A_63 : vector<16xf32>
        %parallel_loop3A_181 = math.exp %parallel_loop3A_180 : vector<16xf32>
        %parallel_loop3A_182 = arith.constant 3 : i32
        %parallel_loop3A_183 = arith.addi %parallel_loop3A_161, %parallel_loop3A_182 : i32
        %parallel_loop3A_184 = vector.broadcast %parallel_loop3A_183 : i32 to vector<16xi32>
        %parallel_loop3A_185 = tpu.vector_load_idx %arg7[%iota3A, %parallel_loop3A_184] : memref<16x1000xf32, #tpu.memory_space<vmem>>[vector<16xi32>, vector<16xi32>], vector<16xf32>,
        %parallel_loop3A_186 = arith.subf %parallel_loop3A_185, %max3A_63 : vector<16xf32>
        %parallel_loop3A_187 = math.exp %parallel_loop3A_186 : vector<16xf32>
        %parallel_loop3A_188 = arith.constant 4 : i32
        %parallel_loop3A_189 = arith.addi %parallel_loop3A_161, %parallel_loop3A_188 : i32
        %parallel_loop3A_190 = vector.broadcast %parallel_loop3A_189 : i32 to vector<16xi32>
        %parallel_loop3A_191 = tpu.vector_load_idx %arg7[%iota3A, %parallel_loop3A_190] : memref<16x1000xf32, #tpu.memory_space<vmem>>[vector<16xi32>, vector<16xi32>], vector<16xf32>,
        %parallel_loop3A_192 = arith.subf %parallel_loop3A_191, %max3A_63 : vector<16xf32>
        %parallel_loop3A_193 = math.exp %parallel_loop3A_192 : vector<16xf32>
        %parallel_loop3A_194 = arith.constant 5 : i32
        %parallel_loop3A_195 = arith.addi %parallel_loop3A_161, %parallel_loop3A_194 : i32
        %parallel_loop3A_196 = vector.broadcast %parallel_loop3A_195 : i32 to vector<16xi32>
        %parallel_loop3A_197 = tpu.vector_load_idx %arg7[%iota3A, %parallel_loop3A_196] : memref<16x1000xf32, #tpu.memory_space<vmem>>[vector<16xi32>, vector<16xi32>], vector<16xf32>,
        %parallel_loop3A_198 = arith.subf %parallel_loop3A_197, %max3A_63 : vector<16xf32>
        %parallel_loop3A_199 = math.exp %parallel_loop3A_198 : vector<16xf32>
        %parallel_loop3A_200 = arith.constant 6 : i32
        %parallel_loop3A_201 = arith.addi %parallel_loop3A_161, %parallel_loop3A_200 : i32
        %parallel_loop3A_202 = vector.broadcast %parallel_loop3A_201 : i32 to vector<16xi32>
        %parallel_loop3A_203 = tpu.vector_load_idx %arg7[%iota3A, %parallel_loop3A_202] : memref<16x1000xf32, #tpu.memory_space<vmem>>[vector<16xi32>, vector<16xi32>], vector<16xf32>,
        %parallel_loop3A_204 = arith.subf %parallel_loop3A_203, %max3A_63 : vector<16xf32>
        %parallel_loop3A_205 = math.exp %parallel_loop3A_204 : vector<16xf32>
        %parallel_loop3A_206 = arith.constant 7 : i32
        %parallel_loop3A_207 = arith.addi %parallel_loop3A_161, %parallel_loop3A_206 : i32
        %parallel_loop3A_208 = vector.broadcast %parallel_loop3A_207 : i32 to vector<16xi32>
        %parallel_loop3A_209 = tpu.vector_load_idx %arg7[%iota3A, %parallel_loop3A_208] : memref<16x1000xf32, #tpu.memory_space<vmem>>[vector<16xi32>, vector<16xi32>], vector<16xf32>,
        %parallel_loop3A_210 = arith.subf %parallel_loop3A_209, %max3A_63 : vector<16xf32>
        %parallel_loop3A_211 = math.exp %parallel_loop3A_210 : vector<16xf32>
        %parallel_loop3A_212 = arith.addf %parallel_loop3A_169, %parallel_loop3A_175 : vector<16xf32>
        %parallel_loop3A_213 = arith.addf %parallel_loop3A_181, %parallel_loop3A_187 : vector<16xf32>
        %parallel_loop3A_214 = arith.addf %parallel_loop3A_212, %parallel_loop3A_213 : vector<16xf32>
        %parallel_loop3A_215 = arith.addf %parallel_loop3A_162, %parallel_loop3A_214 : vector<16xf32>
        %parallel_loop3A_216 = arith.addf %parallel_loop3A_193, %parallel_loop3A_199 : vector<16xf32>
        %parallel_loop3A_217 = arith.addf %parallel_loop3A_205, %parallel_loop3A_211 : vector<16xf32>
        %parallel_loop3A_218 = arith.addf %parallel_loop3A_216, %parallel_loop3A_217 : vector<16xf32>
        %parallel_loop3A_219 = arith.addf %parallel_loop3A_163, %parallel_loop3A_218 : vector<16xf32>
        scf.yield %parallel_loop3A_215, %parallel_loop3A_219 : vector<16xf32>, vector<16xf32>
      } {sc.loop_unroll_factor = 1 : i64, sc.parallel_access}
      %add3A_70 = arith.addf %parallel_loop3A_69#0, %parallel_loop3A_69#1 : vector<16xf32>
      %mul3A_71 = arith.constant 16 : i32
      %mul3A_72 = arith.muli %mul3A_17, %mul3A_71 : i32
      %get3A = arith.index_cast %mul3A_72 : i32 to index
      %get3A_73 = tpu.vector_load %arg9[%get3A] {strides = array<i32>} : memref<512xi32, #tpu.memory_space<vmem>>, vector<16xi32>,
      %gather3A_74 = tpu.vector_load_idx %arg7[%iota3A, %get3A_73] : memref<16x1000xf32, #tpu.memory_space<vmem>>[vector<16xi32>, vector<16xi32>], vector<16xf32>,
      %mul3A_75 = arith.constant 16 : i32
      %mul3A_76 = arith.muli %mul3A_17, %mul3A_75 : i32
      %swap3A = arith.index_cast %mul3A_76 : i32 to index
      %swap3A_77 = tpu.vector_load %arg10[%swap3A] {strides = array<i32>} : memref<512xf32, #tpu.memory_space<vmem>>, vector<16xf32>,
      tpu.vector_store %arg10[%swap3A], %max3A_63 {strides = array<i32>} : memref<512xf32, #tpu.memory_space<vmem>>, vector<16xf32>,
      %mul3A_78 = arith.constant 16 : i32
      %mul3A_79 = arith.muli %mul3A_17, %mul3A_78 : i32
      %swap3A_80 = arith.index_cast %mul3A_79 : i32 to index
      %swap3A_81 = tpu.vector_load %arg11[%swap3A_80] {strides = array<i32>} : memref<512xf32, #tpu.memory_space<vmem>>, vector<16xf32>,
      tpu.vector_store %arg11[%swap3A_80], %add3A_70 {strides = array<i32>} : memref<512xf32, #tpu.memory_space<vmem>>, vector<16xf32>,
      %mul3A_82 = arith.constant 16 : i32
      %mul3A_83 = arith.muli %mul3A_17, %mul3A_82 : i32
      %swap3A_84 = arith.index_cast %mul3A_83 : i32 to index
      %swap3A_85 = tpu.vector_load %arg12[%swap3A_84] {strides = array<i32>} : memref<512xf32, #tpu.memory_space<vmem>>, vector<16xf32>,
      tpu.vector_store %arg12[%swap3A_84], %gather3A_74 {strides = array<i32>} : memref<512xf32, #tpu.memory_space<vmem>>, vector<16xf32>,
      %add3A_86 = arith.constant 1 : i32
      %add3A_87 = arith.addi %mul3A_17, %add3A_86 : i32
      %mul3A_88 = arith.constant 16 : i32
      %mul3A_89 = arith.muli %add3A_87, %mul3A_88 : i32
      %add3A_90 = arith.addi %mul3A_2, %mul3A_89 : i32
      %dma_wait3A_91 = arith.constant 0 : i32
      %dma_wait3A_92 = tpu.memref_slice %arg2[%add3A_90, %dma_wait3A_91] : memref<16384x1000xf32, #tpu.memory_space<hbm>> -> memref<16x1000xf32, #tpu.memory_space<hbm>>
      %dma_wait3A_93 = arith.constant 0 : i32
      %dma_wait3A_94 = tpu.memref_slice %arg2[%add3A_90, %dma_wait3A_93] : memref<16384x1000xf32, #tpu.memory_space<hbm>> -> memref<16x1000xf32, #tpu.memory_space<hbm>>
      tpu.wait_dma2 semaphore(%arg14 : memref<!tpu.dma_semaphore, #tpu.memory_space<semaphore_mem>>) src(%dma_wait3A_94 : memref<16x1000xf32, #tpu.memory_space<hbm>>) dst(%arg8 : memref<16x1000xf32, #tpu.memory_space<vmem>>)
      %add3A_95 = arith.constant 1 : i32
      %add3A_96 = arith.addi %scan3A_14, %add3A_95 : i32
      %lt3A = arith.constant 16 : i32
      %lt3A_97 = arith.cmpi slt, %add3A_96, %lt3A : i32
      %convert_element_type3A = arith.extui %lt3A_97 : i1 to i32
      %cond3A = arith.constant 0 : i32
      %cond3A_98 = arith.cmpi ne, %convert_element_type3A, %cond3A : i32
      scf.if %cond3A_98 {
        %add3A_161 = arith.constant 2 : i32
        %add3A_162 = arith.addi %mul3A_17, %add3A_161 : i32
        %mul3A_163 = arith.constant 16 : i32
        %mul3A_164 = arith.muli %add3A_162, %mul3A_163 : i32
        %add3A_165 = arith.addi %mul3A_2, %mul3A_164 : i32
        %dma_start3A_166 = arith.constant 0 : i32
        %dma_start3A_167 = tpu.memref_slice %arg2[%add3A_165, %dma_start3A_166] : memref<16384x1000xf32, #tpu.memory_space<hbm>> -> memref<16x1000xf32, #tpu.memory_space<hbm>>
        %dma_start3A_168 = arith.constant 0 : i32
        %dma_start3A_169 = tpu.memref_slice %arg2[%add3A_165, %dma_start3A_168] : memref<16384x1000xf32, #tpu.memory_space<hbm>> -> memref<16x1000xf32, #tpu.memory_space<hbm>>
        tpu.enqueue_dma source(%dma_start3A_169 : memref<16x1000xf32, #tpu.memory_space<hbm>>) target(%arg7 : memref<16x1000xf32, #tpu.memory_space<vmem>>) target_semaphore(%arg13 : memref<!tpu.dma_semaphore, #tpu.memory_space<semaphore_mem>>)
      } else {
      }
      %add3A_99 = arith.constant 1 : i32
      %add3A_100 = arith.addi %mul3A_17, %add3A_99 : i32
      %broadcast_in_dim3A_101 = arith.constant 0 : i32
      %broadcast_in_dim3A_102 = vector.broadcast %broadcast_in_dim3A_101 : i32 to vector<16xi32>
      %gather3A_103 = tpu.vector_load_idx %arg8[%iota3A, %broadcast_in_dim3A_102] : memref<16x1000xf32, #tpu.memory_space<vmem>>[vector<16xi32>, vector<16xi32>], vector<16xf32>,
      %broadcast_in_dim3A_104 = arith.constant 1 : i32
      %broadcast_in_dim3A_105 = vector.broadcast %broadcast_in_dim3A_104 : i32 to vector<16xi32>
      %gather3A_106 = tpu.vector_load_idx %arg8[%iota3A, %broadcast_in_dim3A_105] : memref<16x1000xf32, #tpu.memory_space<vmem>>[vector<16xi32>, vector<16xi32>], vector<16xf32>,
      %broadcast_in_dim3A_107 = arith.constant 2 : i32
      %broadcast_in_dim3A_108 = vector.broadcast %broadcast_in_dim3A_107 : i32 to vector<16xi32>
      %gather3A_109 = tpu.vector_load_idx %arg8[%iota3A, %broadcast_in_dim3A_108] : memref<16x1000xf32, #tpu.memory_space<vmem>>[vector<16xi32>, vector<16xi32>], vector<16xf32>,
      %broadcast_in_dim3A_110 = arith.constant 3 : i32
      %broadcast_in_dim3A_111 = vector.broadcast %broadcast_in_dim3A_110 : i32 to vector<16xi32>
      %gather3A_112 = tpu.vector_load_idx %arg8[%iota3A, %broadcast_in_dim3A_111] : memref<16x1000xf32, #tpu.memory_space<vmem>>[vector<16xi32>, vector<16xi32>], vector<16xf32>,
      %broadcast_in_dim3A_113 = arith.constant 4 : i32
      %broadcast_in_dim3A_114 = vector.broadcast %broadcast_in_dim3A_113 : i32 to vector<16xi32>
      %gather3A_115 = tpu.vector_load_idx %arg8[%iota3A, %broadcast_in_dim3A_114] : memref<16x1000xf32, #tpu.memory_space<vmem>>[vector<16xi32>, vector<16xi32>], vector<16xf32>,
      %broadcast_in_dim3A_116 = arith.constant 5 : i32
      %broadcast_in_dim3A_117 = vector.broadcast %broadcast_in_dim3A_116 : i32 to vector<16xi32>
      %gather3A_118 = tpu.vector_load_idx %arg8[%iota3A, %broadcast_in_dim3A_117] : memref<16x1000xf32, #tpu.memory_space<vmem>>[vector<16xi32>, vector<16xi32>], vector<16xf32>,
      %broadcast_in_dim3A_119 = arith.constant 6 : i32
      %broadcast_in_dim3A_120 = vector.broadcast %broadcast_in_dim3A_119 : i32 to vector<16xi32>
      %gather3A_121 = tpu.vector_load_idx %arg8[%iota3A, %broadcast_in_dim3A_120] : memref<16x1000xf32, #tpu.memory_space<vmem>>[vector<16xi32>, vector<16xi32>], vector<16xf32>,
      %broadcast_in_dim3A_122 = arith.constant 7 : i32
      %broadcast_in_dim3A_123 = vector.broadcast %broadcast_in_dim3A_122 : i32 to vector<16xi32>
      %gather3A_124 = tpu.vector_load_idx %arg8[%iota3A, %broadcast_in_dim3A_123] : memref<16x1000xf32, #tpu.memory_space<vmem>>[vector<16xi32>, vector<16xi32>], vector<16xf32>,
      %parallel_loop3A_125 = arith.constant 8 : i32
      %parallel_loop3A_126 = arith.constant 1000 : i32
      %parallel_loop3A_127 = arith.constant 8 : i32
      %parallel_loop3A_128:8 = scf.for %parallel_loop3A_161 = %parallel_loop3A_125 to %parallel_loop3A_126 step %parallel_loop3A_127 iter_args(%parallel_loop3A_162 = %gather3A_103, %parallel_loop3A_163 = %gather3A_106, %parallel_loop3A_164 = %gather3A_109, %parallel_loop3A_165 = %gather3A_112, %parallel_loop3A_166 = %gather3A_115, %parallel_loop3A_167 = %gather3A_118, %parallel_loop3A_168 = %gather3A_121, %parallel_loop3A_169 = %gather3A_124) -> (vector<16xf32>, vector<16xf32>, vector<16xf32>, vector<16xf32>, vector<16xf32>, vector<16xf32>, vector<16xf32>, vector<16xf32>)  : i32 {
        %parallel_loop3A_170 = arith.constant 0 : i32
        %parallel_loop3A_171 = arith.addi %parallel_loop3A_161, %parallel_loop3A_170 : i32
        %parallel_loop3A_172 = vector.broadcast %parallel_loop3A_171 : i32 to vector<16xi32>
        %parallel_loop3A_173 = tpu.vector_load_idx %arg8[%iota3A, %parallel_loop3A_172] : memref<16x1000xf32, #tpu.memory_space<vmem>>[vector<16xi32>, vector<16xi32>], vector<16xf32>,
        %parallel_loop3A_174 = arith.constant 1 : i32
        %parallel_loop3A_175 = arith.addi %parallel_loop3A_161, %parallel_loop3A_174 : i32
        %parallel_loop3A_176 = vector.broadcast %parallel_loop3A_175 : i32 to vector<16xi32>
        %parallel_loop3A_177 = tpu.vector_load_idx %arg8[%iota3A, %parallel_loop3A_176] : memref<16x1000xf32, #tpu.memory_space<vmem>>[vector<16xi32>, vector<16xi32>], vector<16xf32>,
        %parallel_loop3A_178 = arith.constant 2 : i32
        %parallel_loop3A_179 = arith.addi %parallel_loop3A_161, %parallel_loop3A_178 : i32
        %parallel_loop3A_180 = vector.broadcast %parallel_loop3A_179 : i32 to vector<16xi32>
        %parallel_loop3A_181 = tpu.vector_load_idx %arg8[%iota3A, %parallel_loop3A_180] : memref<16x1000xf32, #tpu.memory_space<vmem>>[vector<16xi32>, vector<16xi32>], vector<16xf32>,
        %parallel_loop3A_182 = arith.constant 3 : i32
        %parallel_loop3A_183 = arith.addi %parallel_loop3A_161, %parallel_loop3A_182 : i32
        %parallel_loop3A_184 = vector.broadcast %parallel_loop3A_183 : i32 to vector<16xi32>
        %parallel_loop3A_185 = tpu.vector_load_idx %arg8[%iota3A, %parallel_loop3A_184] : memref<16x1000xf32, #tpu.memory_space<vmem>>[vector<16xi32>, vector<16xi32>], vector<16xf32>,
        %parallel_loop3A_186 = arith.constant 4 : i32
        %parallel_loop3A_187 = arith.addi %parallel_loop3A_161, %parallel_loop3A_186 : i32
        %parallel_loop3A_188 = vector.broadcast %parallel_loop3A_187 : i32 to vector<16xi32>
        %parallel_loop3A_189 = tpu.vector_load_idx %arg8[%iota3A, %parallel_loop3A_188] : memref<16x1000xf32, #tpu.memory_space<vmem>>[vector<16xi32>, vector<16xi32>], vector<16xf32>,
        %parallel_loop3A_190 = arith.constant 5 : i32
        %parallel_loop3A_191 = arith.addi %parallel_loop3A_161, %parallel_loop3A_190 : i32
        %parallel_loop3A_192 = vector.broadcast %parallel_loop3A_191 : i32 to vector<16xi32>
        %parallel_loop3A_193 = tpu.vector_load_idx %arg8[%iota3A, %parallel_loop3A_192] : memref<16x1000xf32, #tpu.memory_space<vmem>>[vector<16xi32>, vector<16xi32>], vector<16xf32>,
        %parallel_loop3A_194 = arith.constant 6 : i32
        %parallel_loop3A_195 = arith.addi %parallel_loop3A_161, %parallel_loop3A_194 : i32
        %parallel_loop3A_196 = vector.broadcast %parallel_loop3A_195 : i32 to vector<16xi32>
        %parallel_loop3A_197 = tpu.vector_load_idx %arg8[%iota3A, %parallel_loop3A_196] : memref<16x1000xf32, #tpu.memory_space<vmem>>[vector<16xi32>, vector<16xi32>], vector<16xf32>,
        %parallel_loop3A_198 = arith.constant 7 : i32
        %parallel_loop3A_199 = arith.addi %parallel_loop3A_161, %parallel_loop3A_198 : i32
        %parallel_loop3A_200 = vector.broadcast %parallel_loop3A_199 : i32 to vector<16xi32>
        %parallel_loop3A_201 = tpu.vector_load_idx %arg8[%iota3A, %parallel_loop3A_200] : memref<16x1000xf32, #tpu.memory_space<vmem>>[vector<16xi32>, vector<16xi32>], vector<16xf32>,
        %parallel_loop3A_202 = arith.maximumf %parallel_loop3A_162, %parallel_loop3A_173 : vector<16xf32>
        %parallel_loop3A_203 = arith.maximumf %parallel_loop3A_163, %parallel_loop3A_177 : vector<16xf32>
        %parallel_loop3A_204 = arith.maximumf %parallel_loop3A_164, %parallel_loop3A_181 : vector<16xf32>
        %parallel_loop3A_205 = arith.maximumf %parallel_loop3A_165, %parallel_loop3A_185 : vector<16xf32>
        %parallel_loop3A_206 = arith.maximumf %parallel_loop3A_166, %parallel_loop3A_189 : vector<16xf32>
        %parallel_loop3A_207 = arith.maximumf %parallel_loop3A_167, %parallel_loop3A_193 : vector<16xf32>
        %parallel_loop3A_208 = arith.maximumf %parallel_loop3A_168, %parallel_loop3A_197 : vector<16xf32>
        %parallel_loop3A_209 = arith.maximumf %parallel_loop3A_169, %parallel_loop3A_201 : vector<16xf32>
        scf.yield %parallel_loop3A_202, %parallel_loop3A_203, %parallel_loop3A_204, %parallel_loop3A_205, %parallel_loop3A_206, %parallel_loop3A_207, %parallel_loop3A_208, %parallel_loop3A_209 : vector<16xf32>, vector<16xf32>, vector<16xf32>, vector<16xf32>, vector<16xf32>, vector<16xf32>, vector<16xf32>, vector<16xf32>
      } {sc.loop_unroll_factor = 1 : i64, sc.parallel_access}
      %max3A_129 = arith.maximumf %parallel_loop3A_128#0, %parallel_loop3A_128#1 : vector<16xf32>
      %max3A_130 = arith.maximumf %parallel_loop3A_128#2, %parallel_loop3A_128#3 : vector<16xf32>
      %max3A_131 = arith.maximumf %parallel_loop3A_128#4, %parallel_loop3A_128#5 : vector<16xf32>
      %max3A_132 = arith.maximumf %parallel_loop3A_128#6, %parallel_loop3A_128#7 : vector<16xf32>
      %max3A_133 = arith.maximumf %max3A_129, %max3A_130 : vector<16xf32>
      %max3A_134 = arith.maximumf %max3A_131, %max3A_132 : vector<16xf32>
      %max3A_135 = arith.maximumf %max3A_133, %max3A_134 : vector<16xf32>
      %broadcast_in_dim3A_136 = arith.constant 0.000000e+00 : f32
      %broadcast_in_dim3A_137 = vector.broadcast %broadcast_in_dim3A_136 : f32 to vector<16xf32>
      %parallel_loop3A_138 = arith.constant 0 : i32
      %parallel_loop3A_139 = arith.constant 1000 : i32
      %parallel_loop3A_140 = arith.constant 8 : i32
      %parallel_loop3A_141:2 = scf.for %parallel_loop3A_161 = %parallel_loop3A_138 to %parallel_loop3A_139 step %parallel_loop3A_140 iter_args(%parallel_loop3A_162 = %broadcast_in_dim3A_137, %parallel_loop3A_163 = %broadcast_in_dim3A_137) -> (vector<16xf32>, vector<16xf32>)  : i32 {
        %parallel_loop3A_164 = arith.constant 0 : i32
        %parallel_loop3A_165 = arith.addi %parallel_loop3A_161, %parallel_loop3A_164 : i32
        %parallel_loop3A_166 = vector.broadcast %parallel_loop3A_165 : i32 to vector<16xi32>
        %parallel_loop3A_167 = tpu.vector_load_idx %arg8[%iota3A, %parallel_loop3A_166] : memref<16x1000xf32, #tpu.memory_space<vmem>>[vector<16xi32>, vector<16xi32>], vector<16xf32>,
        %parallel_loop3A_168 = arith.subf %parallel_loop3A_167, %max3A_135 : vector<16xf32>
        %parallel_loop3A_169 = math.exp %parallel_loop3A_168 : vector<16xf32>
        %parallel_loop3A_170 = arith.constant 1 : i32
        %parallel_loop3A_171 = arith.addi %parallel_loop3A_161, %parallel_loop3A_170 : i32
        %parallel_loop3A_172 = vector.broadcast %parallel_loop3A_171 : i32 to vector<16xi32>
        %parallel_loop3A_173 = tpu.vector_load_idx %arg8[%iota3A, %parallel_loop3A_172] : memref<16x1000xf32, #tpu.memory_space<vmem>>[vector<16xi32>, vector<16xi32>], vector<16xf32>,
        %parallel_loop3A_174 = arith.subf %parallel_loop3A_173, %max3A_135 : vector<16xf32>
        %parallel_loop3A_175 = math.exp %parallel_loop3A_174 : vector<16xf32>
        %parallel_loop3A_176 = arith.constant 2 : i32
        %parallel_loop3A_177 = arith.addi %parallel_loop3A_161, %parallel_loop3A_176 : i32
        %parallel_loop3A_178 = vector.broadcast %parallel_loop3A_177 : i32 to vector<16xi32>
        %parallel_loop3A_179 = tpu.vector_load_idx %arg8[%iota3A, %parallel_loop3A_178] : memref<16x1000xf32, #tpu.memory_space<vmem>>[vector<16xi32>, vector<16xi32>], vector<16xf32>,
        %parallel_loop3A_180 = arith.subf %parallel_loop3A_179, %max3A_135 : vector<16xf32>
        %parallel_loop3A_181 = math.exp %parallel_loop3A_180 : vector<16xf32>
        %parallel_loop3A_182 = arith.constant 3 : i32
        %parallel_loop3A_183 = arith.addi %parallel_loop3A_161, %parallel_loop3A_182 : i32
        %parallel_loop3A_184 = vector.broadcast %parallel_loop3A_183 : i32 to vector<16xi32>
        %parallel_loop3A_185 = tpu.vector_load_idx %arg8[%iota3A, %parallel_loop3A_184] : memref<16x1000xf32, #tpu.memory_space<vmem>>[vector<16xi32>, vector<16xi32>], vector<16xf32>,
        %parallel_loop3A_186 = arith.subf %parallel_loop3A_185, %max3A_135 : vector<16xf32>
        %parallel_loop3A_187 = math.exp %parallel_loop3A_186 : vector<16xf32>
        %parallel_loop3A_188 = arith.constant 4 : i32
        %parallel_loop3A_189 = arith.addi %parallel_loop3A_161, %parallel_loop3A_188 : i32
        %parallel_loop3A_190 = vector.broadcast %parallel_loop3A_189 : i32 to vector<16xi32>
        %parallel_loop3A_191 = tpu.vector_load_idx %arg8[%iota3A, %parallel_loop3A_190] : memref<16x1000xf32, #tpu.memory_space<vmem>>[vector<16xi32>, vector<16xi32>], vector<16xf32>,
        %parallel_loop3A_192 = arith.subf %parallel_loop3A_191, %max3A_135 : vector<16xf32>
        %parallel_loop3A_193 = math.exp %parallel_loop3A_192 : vector<16xf32>
        %parallel_loop3A_194 = arith.constant 5 : i32
        %parallel_loop3A_195 = arith.addi %parallel_loop3A_161, %parallel_loop3A_194 : i32
        %parallel_loop3A_196 = vector.broadcast %parallel_loop3A_195 : i32 to vector<16xi32>
        %parallel_loop3A_197 = tpu.vector_load_idx %arg8[%iota3A, %parallel_loop3A_196] : memref<16x1000xf32, #tpu.memory_space<vmem>>[vector<16xi32>, vector<16xi32>], vector<16xf32>,
        %parallel_loop3A_198 = arith.subf %parallel_loop3A_197, %max3A_135 : vector<16xf32>
        %parallel_loop3A_199 = math.exp %parallel_loop3A_198 : vector<16xf32>
        %parallel_loop3A_200 = arith.constant 6 : i32
        %parallel_loop3A_201 = arith.addi %parallel_loop3A_161, %parallel_loop3A_200 : i32
        %parallel_loop3A_202 = vector.broadcast %parallel_loop3A_201 : i32 to vector<16xi32>
        %parallel_loop3A_203 = tpu.vector_load_idx %arg8[%iota3A, %parallel_loop3A_202] : memref<16x1000xf32, #tpu.memory_space<vmem>>[vector<16xi32>, vector<16xi32>], vector<16xf32>,
        %parallel_loop3A_204 = arith.subf %parallel_loop3A_203, %max3A_135 : vector<16xf32>
        %parallel_loop3A_205 = math.exp %parallel_loop3A_204 : vector<16xf32>
        %parallel_loop3A_206 = arith.constant 7 : i32
        %parallel_loop3A_207 = arith.addi %parallel_loop3A_161, %parallel_loop3A_206 : i32
        %parallel_loop3A_208 = vector.broadcast %parallel_loop3A_207 : i32 to vector<16xi32>
        %parallel_loop3A_209 = tpu.vector_load_idx %arg8[%iota3A, %parallel_loop3A_208] : memref<16x1000xf32, #tpu.memory_space<vmem>>[vector<16xi32>, vector<16xi32>], vector<16xf32>,
        %parallel_loop3A_210 = arith.subf %parallel_loop3A_209, %max3A_135 : vector<16xf32>
        %parallel_loop3A_211 = math.exp %parallel_loop3A_210 : vector<16xf32>
        %parallel_loop3A_212 = arith.addf %parallel_loop3A_169, %parallel_loop3A_175 : vector<16xf32>
        %parallel_loop3A_213 = arith.addf %parallel_loop3A_181, %parallel_loop3A_187 : vector<16xf32>
        %parallel_loop3A_214 = arith.addf %parallel_loop3A_212, %parallel_loop3A_213 : vector<16xf32>
        %parallel_loop3A_215 = arith.addf %parallel_loop3A_162, %parallel_loop3A_214 : vector<16xf32>
        %parallel_loop3A_216 = arith.addf %parallel_loop3A_193, %parallel_loop3A_199 : vector<16xf32>
        %parallel_loop3A_217 = arith.addf %parallel_loop3A_205, %parallel_loop3A_211 : vector<16xf32>
        %parallel_loop3A_218 = arith.addf %parallel_loop3A_216, %parallel_loop3A_217 : vector<16xf32>
        %parallel_loop3A_219 = arith.addf %parallel_loop3A_163, %parallel_loop3A_218 : vector<16xf32>
        scf.yield %parallel_loop3A_215, %parallel_loop3A_219 : vector<16xf32>, vector<16xf32>
      } {sc.loop_unroll_factor = 1 : i64, sc.parallel_access}
      %add3A_142 = arith.addf %parallel_loop3A_141#0, %parallel_loop3A_141#1 : vector<16xf32>
      %mul3A_143 = arith.constant 16 : i32
      %mul3A_144 = arith.muli %add3A_100, %mul3A_143 : i32
      %get3A_145 = arith.index_cast %mul3A_144 : i32 to index
      %get3A_146 = tpu.vector_load %arg9[%get3A_145] {strides = array<i32>} : memref<512xi32, #tpu.memory_space<vmem>>, vector<16xi32>,
      %gather3A_147 = tpu.vector_load_idx %arg8[%iota3A, %get3A_146] : memref<16x1000xf32, #tpu.memory_space<vmem>>[vector<16xi32>, vector<16xi32>], vector<16xf32>,
      %mul3A_148 = arith.constant 16 : i32
      %mul3A_149 = arith.muli %add3A_100, %mul3A_148 : i32
      %swap3A_150 = arith.index_cast %mul3A_149 : i32 to index
      %swap3A_151 = tpu.vector_load %arg10[%swap3A_150] {strides = array<i32>} : memref<512xf32, #tpu.memory_space<vmem>>, vector<16xf32>,
      tpu.vector_store %arg10[%swap3A_150], %max3A_135 {strides = array<i32>} : memref<512xf32, #tpu.memory_space<vmem>>, vector<16xf32>,
      %mul3A_152 = arith.constant 16 : i32
      %mul3A_153 = arith.muli %add3A_100, %mul3A_152 : i32
      %swap3A_154 = arith.index_cast %mul3A_153 : i32 to index
      %swap3A_155 = tpu.vector_load %arg11[%swap3A_154] {strides = array<i32>} : memref<512xf32, #tpu.memory_space<vmem>>, vector<16xf32>,
      tpu.vector_store %arg11[%swap3A_154], %add3A_142 {strides = array<i32>} : memref<512xf32, #tpu.memory_space<vmem>>, vector<16xf32>,
      %mul3A_156 = arith.constant 16 : i32
      %mul3A_157 = arith.muli %add3A_100, %mul3A_156 : i32
      %swap3A_158 = arith.index_cast %mul3A_157 : i32 to index
      %swap3A_159 = tpu.vector_load %arg12[%swap3A_158] {strides = array<i32>} : memref<512xf32, #tpu.memory_space<vmem>>, vector<16xf32>,
      tpu.vector_store %arg12[%swap3A_158], %gather3A_147 {strides = array<i32>} : memref<512xf32, #tpu.memory_space<vmem>>, vector<16xf32>,
      %scan3A_160 = arith.constant 0 : i32
      scf.yield %scan3A_160 : i32
    }
    %scan3A_13 = arith.constant 16 : i32
    "tpu.region"() ({
      %run_scoped3A = tpu.sem_alloc : memref<!tpu.dma_semaphore, #tpu.memory_space<semaphore_mem>>
      %dma_start3A_14 = tpu.memref_slice %arg4[%mul3A_2] : memref<16384xf32, #tpu.memory_space<hbm>> -> memref<512xf32, #tpu.memory_space<hbm>>
      %dma_start3A_15 = tpu.memref_slice %arg4[%mul3A_2] : memref<16384xf32, #tpu.memory_space<hbm>> -> memref<512xf32, #tpu.memory_space<hbm>>
      tpu.enqueue_dma source(%arg10 : memref<512xf32, #tpu.memory_space<vmem>>) target(%dma_start3A_15 : memref<512xf32, #tpu.memory_space<hbm>>) target_semaphore(%run_scoped3A : memref<!tpu.dma_semaphore, #tpu.memory_space<semaphore_mem>>)
      %dma_wait3A = tpu.memref_slice %arg4[%mul3A_2] : memref<16384xf32, #tpu.memory_space<hbm>> -> memref<512xf32, #tpu.memory_space<hbm>>
      %dma_wait3A_16 = tpu.memref_slice %arg4[%mul3A_2] : memref<16384xf32, #tpu.memory_space<hbm>> -> memref<512xf32, #tpu.memory_space<hbm>>
      tpu.wait_dma2 semaphore(%run_scoped3A : memref<!tpu.dma_semaphore, #tpu.memory_space<semaphore_mem>>) src(%arg10 : memref<512xf32, #tpu.memory_space<vmem>>) dst(%dma_wait3A_16 : memref<512xf32, #tpu.memory_space<hbm>>)
      tpu.yield
    }) : () -> ()
    "tpu.region"() ({
      %run_scoped3A = tpu.sem_alloc : memref<!tpu.dma_semaphore, #tpu.memory_space<semaphore_mem>>
      %dma_start3A_14 = tpu.memref_slice %arg5[%mul3A_2] : memref<16384xf32, #tpu.memory_space<hbm>> -> memref<512xf32, #tpu.memory_space<hbm>>
      %dma_start3A_15 = tpu.memref_slice %arg5[%mul3A_2] : memref<16384xf32, #tpu.memory_space<hbm>> -> memref<512xf32, #tpu.memory_space<hbm>>
      tpu.enqueue_dma source(%arg11 : memref<512xf32, #tpu.memory_space<vmem>>) target(%dma_start3A_15 : memref<512xf32, #tpu.memory_space<hbm>>) target_semaphore(%run_scoped3A : memref<!tpu.dma_semaphore, #tpu.memory_space<semaphore_mem>>)
      %dma_wait3A = tpu.memref_slice %arg5[%mul3A_2] : memref<16384xf32, #tpu.memory_space<hbm>> -> memref<512xf32, #tpu.memory_space<hbm>>
      %dma_wait3A_16 = tpu.memref_slice %arg5[%mul3A_2] : memref<16384xf32, #tpu.memory_space<hbm>> -> memref<512xf32, #tpu.memory_space<hbm>>
      tpu.wait_dma2 semaphore(%run_scoped3A : memref<!tpu.dma_semaphore, #tpu.memory_space<semaphore_mem>>) src(%arg11 : memref<512xf32, #tpu.memory_space<vmem>>) dst(%dma_wait3A_16 : memref<512xf32, #tpu.memory_space<hbm>>)
      tpu.yield
    }) : () -> ()
    "tpu.region"() ({
      %run_scoped3A = tpu.sem_alloc : memref<!tpu.dma_semaphore, #tpu.memory_space<semaphore_mem>>
      %dma_start3A_14 = tpu.memref_slice %arg6[%mul3A_2] : memref<16384xf32, #tpu.memory_space<hbm>> -> memref<512xf32, #tpu.memory_space<hbm>>
      %dma_start3A_15 = tpu.memref_slice %arg6[%mul3A_2] : memref<16384xf32, #tpu.memory_space<hbm>> -> memref<512xf32, #tpu.memory_space<hbm>>
      tpu.enqueue_dma source(%arg12 : memref<512xf32, #tpu.memory_space<vmem>>) target(%dma_start3A_15 : memref<512xf32, #tpu.memory_space<hbm>>) target_semaphore(%run_scoped3A : memref<!tpu.dma_semaphore, #tpu.memory_space<semaphore_mem>>)
      %dma_wait3A = tpu.memref_slice %arg6[%mul3A_2] : memref<16384xf32, #tpu.memory_space<hbm>> -> memref<512xf32, #tpu.memory_space<hbm>>
      %dma_wait3A_16 = tpu.memref_slice %arg6[%mul3A_2] : memref<16384xf32, #tpu.memory_space<hbm>> -> memref<512xf32, #tpu.memory_space<hbm>>
      tpu.wait_dma2 semaphore(%run_scoped3A : memref<!tpu.dma_semaphore, #tpu.memory_space<semaphore_mem>>) src(%arg12 : memref<512xf32, #tpu.memory_space<vmem>>) dst(%dma_wait3A_16 : memref<512xf32, #tpu.memory_space<hbm>>)
      tpu.yield
    }) : () -> ()
    return
  }
}

module attributes {stable_mosaic.version = 14 : i64} {
  func.func @_tc_body(%arg0: memref<128x128xf32, #tpu.memory_space<vmem>>, %arg1: memref<128x128xf32, #tpu.memory_space<vmem>>, %arg2: memref<128x128xf32, #tpu.memory_space<vmem>>, %arg3: memref<1x1xf32, #tpu.memory_space<smem>>, %arg4: memref<128x128xf32, #tpu.memory_space<vmem>>) attributes {dimension_semantics = [], scalar_prefetch = 0 : i64, scratch_operands = 0 : i64, tpu.core_type = #tpu.core_type<tc>} {
    %get3A = arith.constant 0 : index
    %get3A_0 = arith.constant 0 : index
    %get3A_1 = vector.load %arg0[%get3A, %get3A_0] : memref<128x128xf32, #tpu.memory_space<vmem>>, vector<128x128xf32>
    %get3A_2 = arith.constant 0 : index
    %get3A_3 = arith.constant 0 : index
    %get3A_4 = vector.load %arg1[%get3A_2, %get3A_3] : memref<128x128xf32, #tpu.memory_space<vmem>>, vector<128x128xf32>
    %get3A_5 = arith.constant 0 : index
    %get3A_6 = arith.constant 0 : index
    %get3A_7 = vector.load %arg2[%get3A_5, %get3A_6] : memref<128x128xf32, #tpu.memory_space<vmem>>, vector<128x128xf32>
    %log3A = math.log %get3A_4 : vector<128x128xf32>
    %add3A = arith.addf %get3A_1, %log3A : vector<128x128xf32>
    %sub3A = arith.subf %add3A, %get3A_7 : vector<128x128xf32>
    %neg3A = arith.constant 0.000000e+00 : f32
    %neg3A_8 = vector.broadcast %neg3A : f32 to vector<128x128xf32>
    %neg3A_9 = arith.subf %neg3A_8, %sub3A : vector<128x128xf32>
    %exp3A = math.exp %neg3A_9 : vector<128x128xf32>
    %sub3A_10 = arith.constant 1.000000e+00 : f32
    %sub3A_11 = vector.broadcast %sub3A_10 : f32 to vector<128x128xf32>
    %sub3A_12 = arith.subf %sub3A_11, %exp3A : vector<128x128xf32>
    %integer_pow3A = arith.mulf %sub3A_12, %sub3A_12 : vector<128x128xf32>
    %mul3A = arith.constant 2.500000e-01 : f32
    %mul3A_13 = vector.broadcast %mul3A : f32 to vector<128x128xf32>
    %mul3A_14 = arith.mulf %mul3A_13, %integer_pow3A : vector<128x128xf32>
    %mul3A_15 = arith.mulf %mul3A_14, %sub3A : vector<128x128xf32>
    %bitcast_convert_type3A = tpu.bitcast %mul3A_15 : vector<128x128xf32> -> vector<128x128xi32>
    %scan3A = arith.constant 0 : i32
    %scan3A_16 = arith.constant 0 : i32
    %scan3A_17 = arith.constant 31 : i32
    %scan3A_18 = arith.addi %scan3A_16, %scan3A_17 : i32
    %scan3A_19 = arith.constant 1 : i32
    %scan3A_20 = scf.for %scan3A_39 = %scan3A_16 to %scan3A_18 step %scan3A_19 iter_args(%scan3A_40 = %scan3A) -> (i32)  : i32 {
      %sub3A_41 = arith.constant 30 : i32
      %sub3A_42 = arith.subi %sub3A_41, %scan3A_39 : i32
      %shift_left3A = arith.constant 1 : i32
      %shift_left3A_43 = arith.shli %shift_left3A, %sub3A_42 : i32
      %or3A = arith.ori %scan3A_40, %shift_left3A_43 : i32
      %ge3A_44 = vector.broadcast %or3A : i32 to vector<128x128xi32>
      %ge3A_45 = arith.cmpi sge, %bitcast_convert_type3A, %ge3A_44 : vector<128x128xi32>
      %convert_element_type3A_46 = arith.extui %ge3A_45 : vector<128x128xi1> to vector<128x128xi32>
      %reduce_sum3A_47 = vector.shape_cast %convert_element_type3A_46 : vector<128x128xi32> to vector<1x128x128xi32>
      %reduce_sum3A_48 = arith.constant dense<0> : vector<1xi32>
      %reduce_sum3A_49 = vector.multi_reduction <add>, %reduce_sum3A_47, %reduce_sum3A_48 [1, 2] : vector<1x128x128xi32> to vector<1xi32>
      %reduce_sum3A_50 = vector.shape_cast %reduce_sum3A_49 : vector<1xi32> to vector<1x1x1xi32>
      %reduce_sum3A_51 = vector.extract %reduce_sum3A_50[0, 0, 0] : i32 from vector<1x1x1xi32>
      %ge3A_52 = arith.constant 11468 : i32
      %ge3A_53 = arith.cmpi sge, %reduce_sum3A_51, %ge3A_52 : i32
      %select_n3A_54 = arith.select %ge3A_53, %or3A, %scan3A_40 : i32
      scf.yield %select_n3A_54 : i32
    }
    %scan3A_21 = arith.constant 31 : i32
    %bitcast_convert_type3A_22 = arith.bitcast %scan3A_20 : i32 to f32
    %ge3A = vector.broadcast %bitcast_convert_type3A_22 : f32 to vector<128x128xf32>
    %ge3A_23 = arith.cmpf oge, %mul3A_15, %ge3A : vector<128x128xf32>
    %convert_element_type3A = arith.extui %ge3A_23 : vector<128x128xi1> to vector<128x128xi32>
    %convert_element_type3A_24 = arith.sitofp %convert_element_type3A : vector<128x128xi32> to vector<128x128xf32>
    %jit3A = arith.constant 0.000000e+00 : f32
    %broadcast_in_dim3A = vector.broadcast %jit3A : f32 to vector<128x128xf32>
    %select_n3A = arith.select %ge3A_23, %mul3A_15, %broadcast_in_dim3A : vector<128x128xi1>, vector<128x128xf32>
    %reduce_sum3A = vector.shape_cast %select_n3A : vector<128x128xf32> to vector<1x128x128xf32>
    %reduce_sum3A_25 = arith.constant dense<0.000000e+00> : vector<1xf32>
    %reduce_sum3A_26 = vector.multi_reduction <add>, %reduce_sum3A, %reduce_sum3A_25 [1, 2] : vector<1x128x128xf32> to vector<1xf32>
    %reduce_sum3A_27 = vector.shape_cast %reduce_sum3A_26 : vector<1xf32> to vector<1x1x1xf32>
    %reduce_sum3A_28 = vector.extract %reduce_sum3A_27[0, 0, 0] : f32 from vector<1x1x1xf32>
    %reduce_sum3A_29 = vector.shape_cast %convert_element_type3A_24 : vector<128x128xf32> to vector<1x128x128xf32>
    %reduce_sum3A_30 = arith.constant dense<0.000000e+00> : vector<1xf32>
    %reduce_sum3A_31 = vector.multi_reduction <add>, %reduce_sum3A_29, %reduce_sum3A_30 [1, 2] : vector<1x128x128xf32> to vector<1xf32>
    %reduce_sum3A_32 = vector.shape_cast %reduce_sum3A_31 : vector<1xf32> to vector<1x1x1xf32>
    %reduce_sum3A_33 = vector.extract %reduce_sum3A_32[0, 0, 0] : f32 from vector<1x1x1xf32>
    %div3A = arith.divf %reduce_sum3A_28, %reduce_sum3A_33 : f32
    %swap3A = arith.constant 0 : index
    %swap3A_34 = arith.constant 0 : index
    %swap3A_35 = memref.load %arg3[%swap3A, %swap3A_34] : memref<1x1xf32, #tpu.memory_space<smem>>
    memref.store %div3A, %arg3[%swap3A, %swap3A_34] : memref<1x1xf32, #tpu.memory_space<smem>>
    %swap3A_36 = arith.constant 0 : index
    %swap3A_37 = arith.constant 0 : index
    %swap3A_38 = vector.load %arg4[%swap3A_36, %swap3A_37] : memref<128x128xf32, #tpu.memory_space<vmem>>, vector<128x128xf32>
    tpu.vector_store %arg4[%swap3A_36, %swap3A_37], %convert_element_type3A_24 {strides = array<i32>} : memref<128x128xf32, #tpu.memory_space<vmem>>, vector<128x128xf32>,
    return
  }
}

</mosaic_0001>

<sc_bundles>
// kernel: kernel.4.cloned.1.call-start
scs
__scs_entry_jumppad:
0x0: {  	(pc) =	sbr.rel $0x88, $3  }
0x1: {  	(tag) =	ssettag $0x0;
	lr =	simm.s32 $0x1  }
0x2: {  	[smem:$0x3F9F] =	sst lr;
	_ =	strace $0xD0000000  }
0x3: {  	_ = 	snop  }
0x4: {  	_ = 	snop  }
0x5: {  	_ = 	snop  }
0x6: {  	_ = 	snop  }
0x7: {  	_ = 	snop  }
__scs_overlays_trampoline_lowered:
0x8: {  	[smem:$0x3FAE] =	sst s0  }
0x9: {  	[smem:$0x3FAF] =	sst s1  }
0xa: {  	[smem:$0x3FB0] =	sst s2  }
0xb: {  	[smem:$0x3FB1] =	sst s3  }
0xc: {  	[smem:$0x3FB2] =	sst s4  }
0xd: {  	[smem:$0x3FB3] =	sst s5  }
0xe: {  	[smem:$0x3FB4] =	sst s6  }
0xf: {  	[smem:$0x3FB5] =	sst s7  }
0x10: {  	[smem:$0x3FB6] =	sst s8  }
0x11: {  	[smem:$0x3FB7] =	sst s9;
	s0 =	simm.s32 @!p0 $0x0  }
0x12: {  	s1 =	sld [smem:$0x3F9D];
	s0 =	simm.s32 @p0 $0x1  }
0x13: {  	[smem:$0x3FB8] =	sst s0;
	s0 =	simm.s32 @!p1 $0x0  }
0x14: {  	s2 =	sld [smem:$0x3F9C];
	s0 =	simm.s32 @p1 $0x1  }
0x15: {  	[smem:$0x3FB9] =	sst s0;
	s0 =	simm.s32 @!p2 $0x0  }
0x16: {  	s3 =	sld [smem:$0x3FDB];
	s0 =	simm.s32 @p2 $0x1  }
0x17: {  	s4 =	simm.s32 $0x1BF5;
	[smem:$0x3FBB] =	sst s0  }
0x18: {  	s0 =	sld [smem:$0x3F9E];
	_ =	swait.ge [sflag:s4], $0x0  }
0x19: {  	s7 =	sld [smem:$0x3F9F]  }
0x1a: {  	s8 =	sadd.s32 $0xFFFFE003, lr  }
0x1b: {  	s9 =	sadd.s32 $0xFFFFFEF7, lr;
	s5 =	simm.s32 $0xFFFFFFFF;
	p2 =	slt.u32 s8, $0xFFFFF086  }
0x1c: {  	p1 =	slt.u32 s9, $0xF7A;
	s5 =	simm.s32 @!p2 $0x0  }
0x1d: {  	s5 =	simm.s32 @p1 $0x1;
	p0 =	seq.s32 s7, s2  }
0x1e: {  	s7 =	smul.u32 @!p0 $0xF7A, s2;
	p2 =	seq.s32 @!p0 s5, $0x0  }
0x1f: {  	s9 =	smul.u32 $0xF7A, s1;
	s8 =	simm.s32 @!p0 $0x1BF5;
	p2 =	por !p2, p0  }
0x20: {  	[sflag:s8] =	ssyncset.s32 @!p0 $0xFFFFF086;
	s6 =	sadd.s32 @!p0 s3, s7;
	s7 =	simm.s32 @!p0 $0x108  }
0x21: {  	s3 =	sadd.s32 s3, s9;
	s6 =	sadd.s32 @!p0 $0x88, s6;
	s7 =	simm.s32 @p2 $0x1082  }
0x22: {  	[simem:s7], [sflag:s8] =	dma.local @!p0 [hbm:s6], $0xF7A  }
0x23: {  	s9 =	sor.u32 $0xD0000000, s2;
	s6 =	simm.s32 $0x108;
	_ =	swait.ge @!p0 [sflag:s8], $0x0  }
0x24: {  	s3 =	sadd.s32 $0x88, s3;
	s6 =	simm.s32 @!p1 $0x1082;
	[sflag:s4] =	ssyncset.s32 $0xFFFFF086  }
0x25: {  	[simem:s6], [sflag:s4] =	dma.local [hbm:s3], $0xF7A  }
0x26: {  	[smem:$0x3F9F] =	sst s1;
	(tag) =	ssettag s2;
	_ =	strace s9  }
0x27: {  	s1 =	sld [smem:$0x3FAF]  }
0x28: {  	s2 =	sld [smem:$0x3FB0]  }
0x29: {  	s4 =	sld [smem:$0x3FB2]  }
0x2a: {  	p0 =	seq.s32 s5, $0x0;
	s5 =	sld [smem:$0x3FB3]  }
0x2b: {  	s6 =	sld [smem:$0x3FB4]  }
0x2c: {  	s7 =	sld [smem:$0x3FB5]  }
0x2d: {  	s3 =	simm.s32 $0x108;
	s8 =	sld [smem:$0x3FB6]  }
0x2e: {  	s3 =	simm.s32 @!p0 $0x1082;
	s9 =	sld [smem:$0x3FB7]  }
0x2f: {  	lr =	sadd.s32 s0, s3;
	s0 =	sld [smem:$0x3FAE]  }
0x30: {  	s3 =	sld [smem:$0x3FB1]  }
0x31: {  	[smem:$0x3FBA] =	sst s10  }
0x32: {  	s10 =	sld [smem:$0x3FB8];
	_ =	sdelay $0x3  }
0x33: {  	p0 =	seq.s32 s10, $0x1;
	s10 =	sld [smem:$0x3FBA];
	_ =	sdelay $0x3  }
0x34: {  	[smem:$0x3FBA] =	sst s10  }
0x35: {  	s10 =	sld [smem:$0x3FB9];
	_ =	sdelay $0x3  }
0x36: {  	p1 =	seq.s32 s10, $0x1;
	s10 =	sld [smem:$0x3FBA];
	_ =	sdelay $0x3  }
0x37: {  	[smem:$0x3FBA] =	sst s10  }
0x38: {  	s10 =	sld [smem:$0x3FBB]  }
0x39: {  	_ = 	snop;
	(pc) =	sbr.ind lr, $3  }
0x3a: {  	_ = 	snop  }
0x3b: {  	_ = 	snop  }
0x3c: {  	p2 =	seq.s32 s10, $0x1;
	s10 =	sld [smem:$0x3FBA]  }
0x3d: {  	_ =	shalt  }
0x3e: {  	_ =	shalt  }
0x3f: {  	_ =	shalt  }
0x40: {  	_ =	shalt  }
0x41: {  	_ =	shalt  }
0x42: {  	_ =	shalt  }
0x43: {  	_ =	shalt  }
0x44: {  	_ =	shalt  }
0x45: {  	_ =	shalt  }
0x46: {  	_ =	shalt  }
0x47: {  	_ =	shalt  }
0x48: {  	_ =	shalt  }
0x49: {  	_ =	shalt  }
0x4a: {  	_ =	shalt  }
0x4b: {  	_ =	shalt  }
0x4c: {  	_ =	shalt  }
0x4d: {  	_ =	shalt  }
0x4e: {  	_ =	shalt  }
0x4f: {  	_ =	shalt  }
0x50: {  	_ =	shalt  }
0x51: {  	_ =	shalt  }
0x52: {  	_ =	shalt  }
0x53: {  	_ =	shalt  }
0x54: {  	_ =	shalt  }
0x55: {  	_ =	shalt  }
0x56: {  	_ =	shalt  }
0x57: {  	_ =	shalt  }
0x58: {  	_ =	shalt  }
0x59: {  	_ =	shalt  }
0x5a: {  	_ =	shalt  }
0x5b: {  	_ =	shalt  }
0x5c: {  	_ =	shalt  }
0x5d: {  	_ =	shalt  }
0x5e: {  	_ =	shalt  }
0x5f: {  	_ =	shalt  }
0x60: {  	_ =	shalt  }
0x61: {  	_ =	shalt  }
0x62: {  	_ =	shalt  }
0x63: {  	_ =	shalt  }
0x64: {  	_ =	shalt  }
0x65: {  	_ =	shalt  }
0x66: {  	_ =	shalt  }
0x67: {  	_ =	shalt  }
0x68: {  	_ =	shalt  }
0x69: {  	_ =	shalt  }
0x6a: {  	_ =	shalt  }
0x6b: {  	_ =	shalt  }
0x6c: {  	_ =	shalt  }
0x6d: {  	_ =	shalt  }
0x6e: {  	_ =	shalt  }
0x6f: {  	_ =	shalt  }
0x70: {  	_ =	shalt  }
0x71: {  	_ =	shalt  }
0x72: {  	_ =	shalt  }
0x73: {  	_ =	shalt  }
0x74: {  	_ =	shalt  }
0x75: {  	_ =	shalt  }
0x76: {  	_ =	shalt  }
0x77: {  	_ =	shalt  }
0x78: {  	_ =	shalt  }
0x79: {  	_ =	shalt  }
0x7a: {  	_ =	shalt  }
0x7b: {  	_ =	shalt  }
0x7c: {  	_ =	shalt  }
0x7d: {  	_ =	shalt  }
0x7e: {  	_ =	shalt  }
0x7f: {  	_ =	shalt  }
0x80: {  	_ =	shalt  }
0x81: {  	_ =	shalt  }
0x82: {  	_ =	shalt  }
0x83: {  	_ =	shalt  }
0x84: {  	_ =	shalt  }
0x85: {  	_ =	shalt  }
0x86: {  	_ =	shalt  }
0x87: {  	_ =	shalt  }
.Lfunc_end0:
.L_simem_size_0:
called_computation_lowered:
.L_overlay_start_0:
0x88: {  	s2 =	sld [smem:$0x3FD9]  }
0x89: {  	s3 =	sld [smem:$0x3FFE];
	_ =	sdelay $0x1  }
0x8a: {  	s1 =	srdreg.scid  }
0x8b: {  	s0 =	sand.u32 $0x1, s1  }
0x8c: {  	s17 =	sshll.u32 s0, $0xA;
	s2 =	sadd.s32 s3, s2  }
0x8d: {  	s2 =	sadd.s32 s2, s17  }
0x8e: {  	[smem:$0x3FC6] =	sst s2  }
0x8f: {  	_ = 	snop  }
0x90: {  	s2 =	sld [smem:$0x3FC8];
	(tm) =	ssettm $0x1  }
0x91: {  	s18 =	sld [smem:$0x3FFB];
	_ =	sdelay $0x3  }
0x92: {  	_ =	strace s18  }
0x93: {  	s3 =	sld [smem:$0x3FFC];
	_ =	sdelay $0x3  }
0x94: {  	_ =	strace s3  }
0x95: {  	s3 =	sld [smem:$0x3FFD];
	_ =	sdelay $0x3  }
0x96: {  	_ =	strace s3  }
0x97: {  	_ =	strace $0x8FFFFFFF  }
0x98: {  	s19 =	sld [smem:$0x3FDB];
	_ =	sdelay $0x1  }
0x99: {  	s4 =	simm.s32 $_scs_section_size  }
0x9a: {  	s5 =	simm.s32 $_size__tile_overlayer_lowered;
	s6 =	simm.s32 $_tile_overlayer_lowered  }
0x9b: {  	s22 =	simm.s32 $0x1BFF;
	s21 =	sshll.u32 s6, $0x1;
	s3 =	sadd.s32 s4, s19  }
0x9c: {  	s7 =	simm.s32 $0x0;
	s20 =	sshll.u32 s5, $0x1;
	s5 =	sadd.s32 s21, s3  }
0x9d: {  	[timem:s7], [sflag:s22] =	dma.local [hbm:s5], s20  }
0x9e: {  	_ =	swait.ge [sflag:s22], s20  }
0x9f: {  	s4 =	ssub.s32 $0x0, s20;
	[sflag:s22] =	ssyncset.done $0x0  }
0xa0: {  	[sflag:s22] =	ssyncadd.s32 s4;
	_ =	sdelay $0x1  }
0xa1: {  	s23 =	simm.s32 $0x1B8B  }
0xa2: {  	_ =	swait.ge [sflag:s23], $0x1  }
0xa3: {  	[sflag:s23] =	ssyncset.done $0x0  }
0xa4: {  	s25 =	simm.s32 $0x1B8E;
	s24 =	sld [smem:$0x3FFE];
	[sflag:s23] =	ssyncadd.s32 $0xFFFFFFFF  }
0xa5: {  	s26 =	simm.s32 $execute0_lowered;
	[smem:$0x3FD2] =	sst s25  }
0xa6: {  	s5 =	sshll.u32 s26, $0x1;
	_ =	strace $0x80000046;
	[dreg:$0x1] =	wrdreg $0xFFFFFFFF  }
0xa7: {  	s28 =	simm.s32 $_size_execute0_lowered;
	s3 =	sadd.s32 s3, s5;
	[dreg:$0x0] =	wrdreg $0x0  }
0xa8: {  	s5 =	sshll.u32 s28, $0x1;
	[dreg:$0x2] =	wrdreg s3  }
0xa9: {  	[dreg:$0x3] =	wrdreg s5  }
0xaa: {  	[dreg:$0x4] =	wrdreg $0xC0  }
0xab: {  	_ =	task [dreg:s7], $0x5FFFF  }
0xac: {  	[dreg:$0x1] =	wrdreg $0xFFFFFFFF  }
0xad: {  	[dreg:$0x0] =	wrdreg $0x60  }
0xae: {  	[dreg:$0x2] =	wrdreg s24  }
0xaf: {  	[dreg:$0x3] =	wrdreg s2  }
0xb0: {  	[dreg:$0x4] =	wrdreg $0x9  }
0xb1: {  	_ =	task.clear_ibuf [dreg:s7], $0x5FFFF;
	_ =	strace $0x90000046  }
0xb2: {  	s29 =	simm.s32 $0x9;
	_ =	strace $0x80000048  }
0xb3: {  	_ =	swait.ge [sflag:s29], $0x1  }
0xb4: {  	[sflag:s29] =	ssyncadd.s32 $0xFFFFFFFF  }
0xb5: {  	_ =	strace $0x90000048  }
0xb6: {  	_ =	sfence  }
0xb7: {  	s30 =	sld [smem:$0x0];
	_ =	sdelay $0x2  }
0xb8: {  	s31 =	sshll.u32 s1, $0xD;
	s1 =	sshrl.u32 s1, $0x2  }
0xb9: {  	s3 =	sand.u32 $0x4000, s31;
	s1 =	sadd.s32 s1, s30  }
0xba: {  	s0 =	sor.u32 s3, s0;
	s1 =	sshll.u32 s1, $0x11  }
0xbb: {  	s0 =	sor.u32 s1, s0  }
0xbc: {  	s0 =	sadd.s32 $0x8F2B, s0  }
0xbd: {  	[sflag:s0] =	ssyncadd.remote.s32 $0x1  }
0xbe: {  	_ =	sfence.sel $0xFFFF  }
0xbf: {  	[dreg:$0x0] =	wrdreg $0xFFFFFFFF;
	(pc) =	sbr.abs _section_cstart, $3  }
0xc0: {  	[dreg:$0x1] =	wrdreg $0xFFFFFFFF  }
0xc1: {  	_ =	task.clear_ibuf [dreg:s7], $0x2FFFF;
	_ =	strace $0x9FFFFFFF  }
0xc2: {  	(tm) =	ssettm $0x7FFFFFFF  }
0xc3: {  	_ =	shalt  }
tec
execute0_lowered:
.L_overlay_start_1:
0x0: {  	(tag) =	ssettag $0x1  }
0x1: {  	v0 =	vimm.s32 $0x2380;
	vm13 =	vcmask $0x300  }
0x2: {  	v1 =	vimm.s32 $0x2381;
	vm14 =	vcmask $0x704;
	vm12 =	vcmask $0xB08  }
0x3: {  	vm11 =	vcmask $0xF0C;
	vm10 =	vcmask $0x1310;
	vm9 =	vcmask $0x1714  }
0x4: {  	vm8 =	vcmask $0x1B18;
	vm7 =	vcmask $0x1F1C;
	vm6 =	vcmask $0x2320  }
0x5: {  	vm5 =	vcmask $0x2724;
	vm4 =	vcmask $0x2B28;
	vm3 =	vcmask $0x2F2C  }
0x6: {  	vm2 =	vcmask $0x3330;
	vm1 =	vcmask $0x3734;
	vm0 =	vcmask $0x3B38  }
0x7: {  	v2 =	vimm.s32 $0x2382;
	v3 =	vimm.s32 $0x2383;
	v4 =	vimm.s32 $0x2384  }
0x8: {  	v5 =	vimm.s32 $0x2385;
	v6 =	vimm.s32 $0x2386;
	v7 =	vimm.s32 $0x2387  }
0x9: {  	v0 =	vsel vm13, $0x0, v0;
	v1 =	vsel vm13, $0x1, v1;
	v2 =	vsel vm13, $0x2, v2  }
0xa: {  	v3 =	vsel vm13, $0x3, v3;
	v4 =	vsel vm13, $0x4, v4;
	v5 =	vsel vm13, $0x5, v5  }
0xb: {  	v6 =	vsel vm13, $0x6, v6;
	v7 =	vsel vm13, $0x7, v7;
	v0 =	vsel vm14, $0x80, v0  }
0xc: {  	v1 =	vsel vm14, $0x81, v1;
	v2 =	vsel vm14, $0x82, v2;
	v3 =	vsel vm14, $0x83, v3  }
0xd: {  	v4 =	vsel vm14, $0x84, v4;
	v5 =	vsel vm14, $0x85, v5;
	v6 =	vsel vm14, $0x86, v6  }
0xe: {  	v7 =	vsel vm14, $0x87, v7;
	v0 =	vsel vm12, $0x100, v0;
	v1 =	vsel vm12, $0x101, v1  }
0xf: {  	v2 =	vsel vm12, $0x102, v2;
	v3 =	vsel vm12, $0x103, v3;
	v4 =	vsel vm12, $0x104, v4  }
0x10: {  	v5 =	vsel vm12, $0x105, v5;
	v6 =	vsel vm12, $0x106, v6;
	v7 =	vsel vm12, $0x107, v7  }
0x11: {  	v0 =	vsel vm11, $0x180, v0;
	v1 =	vsel vm11, $0x181, v1;
	v2 =	vsel vm11, $0x182, v2  }
0x12: {  	v3 =	vsel vm11, $0x183, v3;
	v4 =	vsel vm11, $0x184, v4;
	v5 =	vsel vm11, $0x185, v5  }
0x13: {  	v6 =	vsel vm11, $0x186, v6;
	v7 =	vsel vm11, $0x187, v7;
	v0 =	vsel vm10, $0x200, v0  }
0x14: {  	v1 =	vsel vm10, $0x201, v1;
	v2 =	vsel vm10, $0x202, v2;
	v3 =	vsel vm10, $0x203, v3  }
0x15: {  	v4 =	vsel vm10, $0x204, v4;
	v5 =	vsel vm10, $0x205, v5;
	v6 =	vsel vm10, $0x206, v6  }
0x16: {  	v7 =	vsel vm10, $0x207, v7;
	v0 =	vsel vm9, $0x280, v0;
	v1 =	vsel vm9, $0x281, v1  }
0x17: {  	v2 =	vsel vm9, $0x282, v2;
	v3 =	vsel vm9, $0x283, v3;
	v4 =	vsel vm9, $0x284, v4  }
0x18: {  	v5 =	vsel vm9, $0x285, v5;
	v6 =	vsel vm9, $0x286, v6;
	v7 =	vsel vm9, $0x287, v7  }
0x19: {  	v0 =	vsel vm8, $0x300, v0;
	v1 =	vsel vm8, $0x301, v1;
	v2 =	vsel vm8, $0x302, v2  }
0x1a: {  	v3 =	vsel vm8, $0x303, v3;
	v4 =	vsel vm8, $0x304, v4;
	v5 =	vsel vm8, $0x305, v5  }
0x1b: {  	v6 =	vsel vm8, $0x306, v6;
	v7 =	vsel vm8, $0x307, v7;
	v0 =	vsel vm7, $0x380, v0  }
0x1c: {  	v1 =	vsel vm7, $0x381, v1;
	v2 =	vsel vm7, $0x382, v2;
	v3 =	vsel vm7, $0x383, v3  }
0x1d: {  	v4 =	vsel vm7, $0x384, v4;
	v5 =	vsel vm7, $0x385, v5;
	v6 =	vsel vm7, $0x386, v6  }
0x1e: {  	v7 =	vsel vm7, $0x387, v7;
	v0 =	vsel vm6, $0x2000, v0;
	v1 =	vsel vm6, $0x2001, v1  }
0x1f: {  	v2 =	vsel vm6, $0x2002, v2;
	v3 =	vsel vm6, $0x2003, v3;
	v4 =	vsel vm6, $0x2004, v4  }
0x20: {  	v5 =	vsel vm6, $0x2005, v5;
	v6 =	vsel vm6, $0x2006, v6;
	v7 =	vsel vm6, $0x2007, v7  }
0x21: {  	v0 =	vsel vm5, $0x2080, v0;
	v1 =	vsel vm5, $0x2081, v1;
	v2 =	vsel vm5, $0x2082, v2  }
0x22: {  	v3 =	vsel vm5, $0x2083, v3;
	v4 =	vsel vm5, $0x2084, v4;
	v5 =	vsel vm5, $0x2085, v5  }
0x23: {  	v6 =	vsel vm5, $0x2086, v6;
	v7 =	vsel vm5, $0x2087, v7;
	v0 =	vsel vm4, $0x2100, v0  }
0x24: {  	s5 =	rddreg [dreg:$0x0];
	v1 =	vsel vm4, $0x2101, v1;
	v2 =	vsel vm4, $0x2102, v2;
	v3 =	vsel vm4, $0x2103, v3  }
0x25: {  	s6 =	rddreg [dreg:$0x1];
	s2 =	srdreg.scid;
	v4 =	vsel vm4, $0x2104, v4;
	v5 =	vsel vm4, $0x2105, v5;
	v6 =	vsel vm4, $0x2106, v6  }
0x26: {  	s0 =	rddreg [dreg:$0x2];
	s1 =	stileid.u32;
	v7 =	vsel vm4, $0x2107, v7;
	v0 =	vsel vm3, $0x2180, v0;
	v1 =	vsel vm3, $0x2181, v1  }
0x27: {  	s12 =	simm.s32 $0x8000;
	s13 =	simm.s32 $0x3;
	s14 =	simm.s32 $0x1;
	v2 =	vsel vm3, $0x2182, v2;
	v3 =	vsel vm3, $0x2183, v3;
	v4 =	vsel vm3, $0x2184, v4  }
0x28: {  	s15 =	simm.s32 $0x4000;
	s16 =	simm.s32 $0x2;
	s17 =	simm.s32 $0x8200;
	v5 =	vsel vm3, $0x2185, v5;
	v6 =	vsel vm3, $0x2186, v6;
	v7 =	vsel vm3, $0x2187, v7  }
0x29: {  	s18 =	simm.s32 $0x8400;
	s19 =	simm.s32 $0x8600;
	s20 =	simm.s32 $0x0;
	v0 =	vsel vm2, $0x2200, v0;
	v1 =	vsel vm2, $0x2201, v1;
	v2 =	vsel vm2, $0x2202, v2  }
0x2a: {  	s4 =	sand.u32 $0x1, s2;
	s2 =	simm.s32 $0x0;
	s3 =	sshll.u32 s1, $0xA;
	v3 =	vsel vm2, $0x2203, v3;
	v4 =	vsel vm2, $0x2204, v4;
	v5 =	vsel vm2, $0x2205, v5  }
0x2b: {  	s7 =	sshll.u32 s4, $0x9;
	[smem:$0x7FF] =	sst s2;
	s8 =	ssub.s32 $0x2, s4;
	v6 =	vsel vm2, $0x2206, v6;
	v7 =	vsel vm2, $0x2207, v7;
	v0 =	vsel vm1, $0x2280, v0  }
0x2c: {  	s4 =	sadd.s32 $0x1000, s5;
	s3 =	sor.u32 s7, s3;
	s30 =	sshrl.u32 s8, $0x1;
	v1 =	vsel vm1, $0x2281, v1;
	v2 =	vsel vm1, $0x2282, v2;
	v3 =	vsel vm1, $0x2283, v3  }
0x2d: {  	_ =	strace $0x80000047;
	s7 =	sshrl.u32 s3, $0x3;
	s11 =	ssub.s32 s8, s30;
	v4 =	vsel vm1, $0x2284, v4;
	v5 =	vsel vm1, $0x2285, v5;
	v6 =	vsel vm1, $0x2286, v6  }
0x2e: {  	s31 =	sshll.u32 s3, $0x7;
	s10 =	sadd.s32 s7, s5;
	s5 =	sadd.s32 s6, s7;
	v7 =	vsel vm1, $0x2287, v7;
	v0 =	vsel vm0, $0x2300, v0;
	v1 =	vsel vm0, $0x2301, v1  }
0x2f: {  	s6 =	sadd.s32 s4, s31;
	s7 =	sor.u32 $0x20, s3;
	s8 =	sadd.s32 $0x201000, s10;
	v2 =	vsel vm0, $0x2302, v2;
	v3 =	vsel vm0, $0x2303, v3;
	v4 =	vsel vm0, $0x2304, v4  }
0x30: {  	s11 =	smax.u32 s11, $0x1;
	s9 =	sadd.s32 $0x201800, s10;
	s10 =	sadd.s32 $0x202000, s10;
	v5 =	vsel vm0, $0x2305, v5;
	v6 =	vsel vm0, $0x2306, v6;
	v7 =	vsel vm0, $0x2307, v7  }
.LBB2_1:
0x31: {  	[tilespmem:s12], [sflag:$0x3] =	stream.linear.gather [hbm4b:s5+s2], $0x200, $0x38;
	[tilespmem:$0x8800] =	vst v63  }
0x32: {  	_ =	swait.ge [sflag:s13], $0x200  }
0x33: {  	[sflag:s13] =	ssyncset.done $0x0  }
0x34: {  	s22 =	simm.s32 $0x0;
	[sflag:s13] =	ssyncadd.s32 $0xFFFFFE00  }
0x35: {  	[tilespmem:s2], [sflag:$0x1] =	stream.linear.gather [hbm4b:s6+s2], $0x4000, $0x38;
	[tilespmem:$0x8800] =	vst v63  }
.LBB2_2:
0x36: {  	s23 =	sshll.u32 s22, $0x5;
	s25 =	simm.s32 $0x8  }
0x37: {  	s31 =	simm.s32 $0xF;
	s21 =	sor.u32 $0x10, s23;
	v8 =	vmov s25  }
0x38: {  	_ =	swait.ge [sflag:s14], $0x4000;
	v10 =	vmov s31;
	s24 =	sadd.s32 s3, s21;
	v9 =	vshll.u32 v8, $0x3  }
0x39: {  	s26 =	simm.s32 $0xE;
	[sflag:s14] =	ssyncset.done $0x0;
	v8 =	vand.u32 $0x78, v8;
	v11 =	vshll.u32 v10, $0x3;
	s24 =	sshll.u32 s24, $0x7;
	v9 =	vand.u32 $0x1C00, v9  }
0x3a: {  	s28 =	simm.s32 $0xD;
	[sflag:s14] =	ssyncadd.s32 $0xFFFFC000;
	s24 =	sadd.s32 s4, s24;
	v8 =	vor.u32 v9, v8;
	v9 =	vand.u32 $0x7F, v10;
	v10 =	vand.u32 $0x1C00, v11  }
0x3b: {  	v11 =	vmov s28;
	[tilespmem:s15], [sflag:$0x2] =	stream.linear.gather [hbm4b:s24+s2], $0x4000, $0x38;
	v16 =	vor.u32 v0, v8;
	v8 =	vor.u32 v10, v9;
	[tilespmem:$0x8800] =	vst v63  }
0x3c: {  	v10 =	vmov s26;
	v13 =	vshll.u32 v11, $0x3;
	v15 =	vand.u32 $0x7D, v11;
	v9 =	vld.idx.msk [tilespmem:v0+s2+$0x0], $0xffff  }
0x3d: {  	v17 =	vor.u32 v0, v8;
	v12 =	vshll.u32 v10, $0x3;
	v8 =	vld.idx.msk [tilespmem:v1+s2+$0x0], $0xffff;
	v13 =	vand.u32 $0x1C00, v13  }
0x3e: {  	s29 =	simm.s32 $0xC;
	s30 =	simm.s32 $0xB;
	v14 =	vand.u32 $0x7E, v10;
	v10 =	vld.idx.msk [tilespmem:v2+s2+$0x0], $0xffff;
	v12 =	vand.u32 $0x1C00, v12;
	v13 =	vor.u32 v13, v15  }
0x3f: {  	v11 =	vld.idx.msk [tilespmem:v3+s2+$0x0], $0xffff;
	v15 =	vmov s30;
	v12 =	vor.u32 v12, v14;
	v14 =	vmov s29  }
0x40: {  	v19 =	vor.u32 v0, v13;
	v13 =	vld.idx.msk [tilespmem:v5+s2+$0x0], $0xffff;
	v21 =	vshll.u32 v15, $0x3;
	v20 =	vshll.u32 v14, $0x3  }
0x41: {  	v23 =	vand.u32 $0x7B, v15;
	v15 =	vld.idx.msk [tilespmem:v7+s2+$0x0], $0xffff;
	v22 =	vand.u32 $0x7C, v14;
	v20 =	vand.u32 $0x1C00, v20  }
0x42: {  	s31 =	simm.s32 $0xA;
	v18 =	vor.u32 v0, v12;
	v12 =	vld.idx.msk [tilespmem:v4+s2+$0x0], $0xffff;
	v24 =	vand.u32 $0x1C00, v21;
	v20 =	vor.u32 v20, v22  }
0x43: {  	s25 =	simm.s32 $0x9;
	s24 =	simm.s32 $0x10;
	v14 =	vld.idx.msk [tilespmem:v6+s2+$0x0], $0xffff;
	v21 =	vmov s31;
	v22 =	vor.u32 v24, v23;
	v20 =	vor.u32 v0, v20  }
.LBB2_3:
0x44: {  	p0 =	slt.u32 s24, $0x3E0;
	v23 =	vmov s25;
	v24 =	vshll.u32 v21, $0x3;
	v22 =	vor.u32 v0, v22  }
0x45: {  	v21 =	vand.u32 $0x7A, v21;
	v25 =	vshll.u32 v23, $0x3;
	v24 =	vand.u32 $0x1C00, v24  }
0x46: {  	v26 =	vld.idx.msk [tilespmem:v16+s2+$0x0], $0xffff;
	v16 =	vand.u32 $0x79, v23;
	v23 =	vand.u32 $0x1C00, v25;
	v21 =	vor.u32 v24, v21  }
0x47: {  	s25 =	sadd.s32 $0x7, s24;
	v24 =	vmov s24;
	v16 =	vor.u32 v23, v16;
	v21 =	vor.u32 v0, v21;
	v23 =	vld.idx.msk [tilespmem:v17+s2+$0x0], $0xffff  }
0x48: {  	v25 =	vmov s25;
	v17 =	vshll.u32 v24, $0x3;
	v27 =	vor.u32 v0, v16;
	v28 =	vld.idx.msk [tilespmem:v18+s2+$0x0], $0xffff  }
0x49: {  	v16 =	vand.u32 $0x78, v24;
	v17 =	vand.u32 $0x1C00, v17;
	v18 =	vshll.u32 v25, $0x3;
	v24 =	vld.idx.msk [tilespmem:v19+s2+$0x0], $0xffff  }
0x4a: {  	v16 =	vor.u32 v17, v16;
	v17 =	vand.u32 $0x7F, v25;
	v18 =	vand.u32 $0x1C00, v18;
	v20 =	vld.idx.msk [tilespmem:v20+s2+$0x0], $0xffff  }
0x4b: {  	s25 =	sadd.s32 $0x6, s24;
	v16 =	vor.u32 v0, v16;
	v17 =	vor.u32 v18, v17;
	v22 =	vld.idx.msk [tilespmem:v22+s2+$0x0], $0xffff  }
0x4c: {  	s26 =	sadd.s32 $0x5, s24;
	v18 =	vmov s25;
	v17 =	vor.u32 v0, v17;
	v9 =	vmax.f32 v9, v26;
	v21 =	vld.idx.msk [tilespmem:v21+s2+$0x0], $0xffff  }
0x4d: {  	v19 =	vmov s26;
	v25 =	vshll.u32 v18, $0x3;
	v15 =	vmax.f32 v15, v23;
	v26 =	vld.idx.msk [tilespmem:v27+s2+$0x0], $0xffff  }
0x4e: {  	v18 =	vand.u32 $0x7E, v18;
	v23 =	vshll.u32 v19, $0x3;
	v25 =	vand.u32 $0x1C00, v25  }
0x4f: {  	v19 =	vand.u32 $0x7D, v19;
	v23 =	vand.u32 $0x1C00, v23;
	v18 =	vor.u32 v25, v18  }
0x50: {  	s25 =	sadd.s32 $0x4, s24;
	v14 =	vmax.f32 v14, v28;
	v19 =	vor.u32 v23, v19;
	v18 =	vor.u32 v0, v18  }
0x51: {  	s26 =	sadd.s32 $0x3, s24;
	v23 =	vmov s25;
	v13 =	vmax.f32 v13, v24;
	v19 =	vor.u32 v0, v19  }
.Ltmp0:
0x52: {  	v24 =	vmov s26;
	v25 =	vshll.u32 v23, $0x3;
	v12 =	vmax.f32 v12, v20;
	(pc) =	sbr.rel @p0 .LBB2_3-.Ltmp0, $4  }
0x53: {  	v11 =	vmax.f32 v11, v22;
	v10 =	vmax.f32 v10, v21;
	v8 =	vmax.f32 v8, v26  }
0x54: {  	v20 =	vshll.u32 v24, $0x3;
	v22 =	vand.u32 $0x1C00, v25;
	v21 =	vand.u32 $0x7C, v23  }
0x55: {  	s26 =	sadd.s32 $0x2, s24;
	v20 =	vand.u32 $0x1C00, v20;
	v23 =	vand.u32 $0x7B, v24;
	v24 =	vor.u32 v22, v21  }
0x56: {  	s25 =	sadd.s32 $0x1, s24;
	s24 =	sadd.s32 $0x8, s24;
	v21 =	vmov s26;
	v22 =	vor.u32 v20, v23;
	v20 =	vor.u32 v0, v24  }
0x57: {  	_ = 	snop  }
0x58: {  	v23 =	vmov s25;
	v24 =	vshll.u32 v21, $0x3;
	v22 =	vor.u32 v0, v22  }
0x59: {  	v21 =	vand.u32 $0x7A, v21;
	v25 =	vshll.u32 v23, $0x3;
	v24 =	vand.u32 $0x1C00, v24  }
0x5a: {  	v23 =	vand.u32 $0x79, v23;
	v25 =	vand.u32 $0x1C00, v25;
	v21 =	vor.u32 v24, v21  }
0x5b: {  	v16 =	vld.idx.msk [tilespmem:v16+s2+$0x0], $0xffff;
	v23 =	vor.u32 v25, v23;
	v21 =	vor.u32 v0, v21  }
0x5c: {  	v17 =	vld.idx.msk [tilespmem:v17+s2+$0x0], $0xffff;
	v23 =	vor.u32 v0, v23  }
0x5d: {  	v18 =	vld.idx.msk [tilespmem:v18+s2+$0x0], $0xffff  }
0x5e: {  	v19 =	vld.idx.msk [tilespmem:v19+s2+$0x0], $0xffff  }
0x5f: {  	v22 =	vld.idx.msk [tilespmem:v22+s2+$0x0], $0xffff  }
0x60: {  	v21 =	vld.idx.msk [tilespmem:v21+s2+$0x0], $0xffff  }
0x61: {  	v23 =	vld.idx.msk [tilespmem:v23+s2+$0x0], $0xffff  }
0x62: {  	v20 =	vld.idx.msk [tilespmem:v20+s2+$0x0], $0xffff;
	_ =	sdelay $0x1  }
0x63: {  	v9 =	vmax.f32 v9, v16  }
0x64: {  	v15 =	vmax.f32 v15, v17;
	v14 =	vmax.f32 v14, v18;
	v13 =	vmax.f32 v13, v19  }
0x65: {  	v11 =	vmax.f32 v11, v22;
	v10 =	vmax.f32 v10, v21;
	v8 =	vmax.f32 v8, v23  }
0x66: {  	s30 =	simm.s32 $0x2;
	v12 =	vmax.f32 v12, v20;
	v8 =	vmax.f32 v9, v8;
	v9 =	vmax.f32 v10, v11  }
0x67: {  	s31 =	simm.s32 $0x3;
	v10 =	vmax.f32 v12, v13;
	v11 =	vmax.f32 v14, v15;
	v12 =	vmov s30  }
0x68: {  	s24 =	simm.s32 $0x0;
	s29 =	simm.s32 $0x1;
	v13 =	vmov s31;
	v8 =	vmax.f32 v8, v9;
	v9 =	vmax.f32 v10, v11  }
0x69: {  	v10 =	vmov s24;
	v11 =	vmov s29;
	v15 =	vand.u32 $0x7A, v12  }
0x6a: {  	v16 =	vand.u32 $0x7B, v13;
	v12 =	vshll.u32 v12, $0x3;
	v13 =	vshll.u32 v13, $0x3  }
0x6b: {  	v8 =	vmax.f32 v8, v9;
	v9 =	vand.u32 $0x78, v10;
	v10 =	vshll.u32 v10, $0x3  }
0x6c: {  	s29 =	simm.s32 $0x7;
	v14 =	vand.u32 $0x79, v11;
	v11 =	vshll.u32 v11, $0x3;
	v10 =	vand.u32 $0x1C00, v10  }
0x6d: {  	v17 =	vmov s29;
	v9 =	vor.u32 v10, v9;
	v10 =	vand.u32 $0x1C00, v11  }
0x6e: {  	v11 =	vand.u32 $0x1C00, v12;
	v10 =	vor.u32 v10, v14;
	v9 =	vor.u32 v0, v9  }
0x6f: {  	s25 =	simm.s32 $0x4;
	v12 =	vand.u32 $0x1C00, v13;
	v11 =	vor.u32 v11, v15;
	v10 =	vor.u32 v0, v10  }
0x70: {  	v13 =	vmov s25;
	v12 =	vor.u32 v12, v16;
	v11 =	vor.u32 v0, v11  }
0x71: {  	v15 =	vand.u32 $0x7C, v13;
	v13 =	vshll.u32 v13, $0x3;
	v12 =	vor.u32 v0, v12  }
0x72: {  	s26 =	simm.s32 $0x5;
	s28 =	simm.s32 $0x6;
	v20 =	vand.u32 $0x7F, v17;
	v13 =	vand.u32 $0x1C00, v13  }
0x73: {  	v14 =	vmov s26;
	v16 =	vmov s28;
	v13 =	vor.u32 v13, v15;
	v21 =	vld.idx.msk [tilespmem:v9+s2+$0x0], $0xffff  }
0x74: {  	v18 =	vand.u32 $0x7D, v14;
	v13 =	vor.u32 v0, v13;
	v9 =	vshll.u32 v14, $0x3;
	v10 =	vld.idx.msk [tilespmem:v10+s2+$0x0], $0xffff  }
0x75: {  	v19 =	vand.u32 $0x7E, v16;
	v14 =	vshll.u32 v16, $0x3;
	v9 =	vand.u32 $0x1C00, v9;
	v11 =	vld.idx.msk [tilespmem:v11+s2+$0x0], $0xffff  }
0x76: {  	v16 =	vshll.u32 v17, $0x3;
	v14 =	vand.u32 $0x1C00, v14;
	v12 =	vld.idx.msk [tilespmem:v12+s2+$0x0], $0xffff;
	v9 =	vor.u32 v9, v18  }
0x77: {  	v15 =	vand.u32 $0x1C00, v16;
	v14 =	vor.u32 v14, v19;
	v16 =	vor.u32 v0, v9  }
0x78: {  	s30 =	simm.s32 $0x8;
	v15 =	vor.u32 v15, v20;
	v14 =	vor.u32 v0, v14  }
0x79: {  	v17 =	vmov s30;
	v15 =	vor.u32 v0, v15;
	v13 =	vld.idx.msk [tilespmem:v13+s2+$0x0], $0xffff  }
0x7a: {  	v19 =	vand.u32 $0x78, v17;
	v18 =	vsub.f32 v21, v8;
	v10 =	vsub.f32 v10, v8  }
0x7b: {  	s31 =	simm.s32 $0x9;
	v17 =	vshll.u32 v17, $0x3;
	v11 =	vsub.f32 v11, v8;
	v12 =	vsub.f32 v12, v8  }
0x7c: {  	s25 =	simm.s32 $0xA;
	v20 =	vmov s31;
	v18 =	vmul.f32 $1.442695020e+00, v18;
	v16 =	vld.idx.msk [tilespmem:v16+s2+$0x0], $0xffff;
	v10 =	vmul.f32 $1.442695020e+00, v10  }
0x7d: {  	s26 =	simm.s32 $0xB;
	v21 =	vmov s25;
	v14 =	vld.idx.msk [tilespmem:v14+s2+$0x0], $0xffff;
	v11 =	vmul.f32 $1.442695020e+00, v11;
	v12 =	vmul.f32 $1.442695020e+00, v12  }
0x7e: {  	v15 =	vld.idx.msk [tilespmem:v15+s2+$0x0], $0xffff;
	v13 =	vsub.f32 v13, v8;
	(erf) = vpow2.f32 v18;
	v18 =	vmov s26  }
0x7f: {  	(erf) = vpow2.f32 v10;
	v10 =	vand.u32 $0x1C00, v17;
	v17 =	vand.u32 $0x79, v20  }
0x80: {  	v13 =	vmul.f32 $1.442695020e+00, v13;
	(erf) = vpow2.f32 v11;
	v11 =	vand.u32 $0x7A, v21  }
0x81: {  	v21 =	vshll.u32 v21, $0x3;
	v10 =	vor.u32 v10, v19;
	(erf) = vpow2.f32 v12  }
0x82: {  	v12 =	vshll.u32 v20, $0x3;
	v20 =	vand.u32 $0x7B, v18;
	v16 =	vsub.f32 v16, v8  }
0x83: {  	v18 =	vshll.u32 v18, $0x3;
	v14 =	vsub.f32 v14, v8;
	v15 =	vsub.f32 v15, v8  }
0x84: {  	(erf) = vpow2.f32 v13;
	v12 =	vand.u32 $0x1C00, v12;
	v16 =	vmul.f32 $1.442695020e+00, v16  }
0x85: {  	v12 =	vor.u32 v12, v17;
	v14 =	vmul.f32 $1.442695020e+00, v14;
	v13 =	vmul.f32 $1.442695020e+00, v15  }
0x86: {  	v15 =	vand.u32 $0x1C00, v21;
	(erf) = vpow2.f32 v16;
	v16 =	vand.u32 $0x1C00, v18  }
0x87: {  	v19 =	vor.u32 v0, v12;
	v18 =	vpop (erf);
	(erf) = vpow2.f32 v14;
	v12 =	vor.u32 v16, v20  }
0x88: {  	s29 =	simm.s32 $0xD;
	v10 =	vor.u32 v0, v10;
	v17 =	vpop (erf);
	(erf) = vpow2.f32 v13  }
0x89: {  	v23 =	vmov s29;
	s31 =	simm.s32 $0xF;
	v9 =	vimm.f32 $0.0e+00;
	v11 =	vor.u32 v15, v11;
	v15 =	vpop (erf)  }
0x8a: {  	s28 =	simm.s32 $0xC;
	s30 =	simm.s32 $0xE;
	v25 =	vmov s31;
	v21 =	vand.u32 $0x7D, v23;
	v13 =	vor.u32 v0, v12;
	v12 =	vpop (erf)  }
0x8b: {  	v16 =	vmov s28;
	v12 =	vadd.f32 v12, v15;
	v15 =	vmov s30  }
0x8c: {  	v14 =	vor.u32 v0, v11;
	v22 =	vand.u32 $0x7C, v16;
	v16 =	vshll.u32 v16, $0x3  }
0x8d: {  	v11 =	vadd.f32 v17, v18;
	v18 =	vand.u32 $0x7F, v25;
	v17 =	vld.idx.msk [tilespmem:v10+s2+$0x0], $0xffff;
	v10 =	vshll.u32 v23, $0x3  }
0x8e: {  	v26 =	vand.u32 $0x1C00, v16;
	v20 =	vand.u32 $0x7E, v15;
	v23 =	vshll.u32 v15, $0x3;
	v15 =	vpop (erf)  }
0x8f: {  	s24 =	simm.s32 $0x10;
	v19 =	vld.idx.msk [tilespmem:v19+s2+$0x0], $0xffff;
	v25 =	vshll.u32 v25, $0x3;
	v24 =	vand.u32 $0x1C00, v10;
	v10 =	vimm.f32 $0.0e+00;
	v16 =	vpop (erf)  }
.LBB2_5:
0x90: {  	p0 =	slt.u32 s24, $0x3E0;
	v22 =	vor.u32 v26, v22;
	v27 =	vand.u32 $0x1C00, v23;
	v25 =	vand.u32 $0x1C00, v25;
	v26 =	vpop (erf)  }
0x91: {  	v21 =	vor.u32 v24, v21;
	v14 =	vld.idx.msk [tilespmem:v14+s2+$0x0], $0xffff;
	v22 =	vor.u32 v0, v22;
	v20 =	vor.u32 v27, v20;
	v23 =	vpop (erf)  }
0x92: {  	v15 =	vadd.f32 v16, v15;
	v21 =	vor.u32 v0, v21;
	v13 =	vld.idx.msk [tilespmem:v13+s2+$0x0], $0xffff;
	v16 =	vadd.f32 v23, v26  }
0x93: {  	v18 =	vor.u32 v25, v18;
	v20 =	vor.u32 v0, v20  }
0x94: {  	v11 =	vadd.f32 v12, v11;
	v18 =	vor.u32 v0, v18;
	v12 =	vadd.f32 v16, v15  }
0x95: {  	v15 =	vmov s24;
	v16 =	vsub.f32 v17, v8;
	v17 =	vsub.f32 v19, v8  }
0x96: {  	v9 =	vadd.f32 v11, v9;
	v19 =	vand.u32 $0x78, v15;
	v22 =	vld.idx.msk [tilespmem:v22+s2+$0x0], $0xffff;
	v10 =	vadd.f32 v12, v10  }
0x97: {  	s25 =	sadd.s32 $0x1, s24;
	v11 =	vshll.u32 v15, $0x3;
	v12 =	vmul.f32 $1.442695020e+00, v16;
	v14 =	vsub.f32 v14, v8;
	v15 =	vld.idx.msk [tilespmem:v21+s2+$0x0], $0xffff  }
0x98: {  	v16 =	vmov s25;
	s25 =	sadd.s32 $0x2, s24;
	v17 =	vmul.f32 $1.442695020e+00, v17;
	v13 =	vsub.f32 v13, v8;
	v20 =	vld.idx.msk [tilespmem:v20+s2+$0x0], $0xffff  }
0x99: {  	v21 =	vmov s25;
	s25 =	sadd.s32 $0x3, s24;
	v14 =	vmul.f32 $1.442695020e+00, v14;
	v18 =	vld.idx.msk [tilespmem:v18+s2+$0x0], $0xffff;
	(erf) = vpow2.f32 v12  }
0x9a: {  	v12 =	vmov s25;
	v13 =	vmul.f32 $1.442695020e+00, v13;
	(erf) = vpow2.f32 v17  }
0x9b: {  	v11 =	vand.u32 $0x1C00, v11;
	v17 =	vand.u32 $0x79, v16;
	(erf) = vpow2.f32 v14  }
0x9c: {  	v14 =	vand.u32 $0x7A, v21;
	v22 =	vsub.f32 v22, v8;
	(erf) = vpow2.f32 v13  }
0x9d: {  	v13 =	vshll.u32 v16, $0x3;
	v16 =	vand.u32 $0x7B, v12;
	v15 =	vsub.f32 v15, v8  }
0x9e: {  	v21 =	vshll.u32 v21, $0x3;
	v22 =	vmul.f32 $1.442695020e+00, v22;
	v20 =	vsub.f32 v20, v8  }
0x9f: {  	v12 =	vshll.u32 v12, $0x3;
	v15 =	vmul.f32 $1.442695020e+00, v15;
	v18 =	vsub.f32 v18, v8  }
0xa0: {  	v11 =	vor.u32 v11, v19;
	v19 =	vmul.f32 $1.442695020e+00, v20;
	(erf) = vpow2.f32 v22  }
0xa1: {  	v13 =	vand.u32 $0x1C00, v13;
	v18 =	vmul.f32 $1.442695020e+00, v18;
	(erf) = vpow2.f32 v15  }
0xa2: {  	v21 =	vand.u32 $0x1C00, v21;
	v12 =	vand.u32 $0x1C00, v12;
	v20 =	vpop (erf);
	(erf) = vpow2.f32 v19  }
0xa3: {  	v19 =	vor.u32 v0, v11;
	v11 =	vor.u32 v13, v17;
	v17 =	vpop (erf);
	(erf) = vpow2.f32 v18  }
0xa4: {  	v16 =	vor.u32 v12, v16;
	v24 =	vor.u32 v0, v11;
	v11 =	vor.u32 v21, v14;
	v15 =	vpop (erf)  }
0xa5: {  	s26 =	sadd.s32 $0x5, s24;
	s25 =	sadd.s32 $0x4, s24;
	v13 =	vor.u32 v0, v16;
	v14 =	vor.u32 v0, v11;
	v11 =	vadd.f32 v17, v20;
	v12 =	vpop (erf)  }
.Ltmp1:
0xa6: {  	v23 =	vmov s26;
	s26 =	sadd.s32 $0x7, s24;
	v16 =	vmov s25;
	s25 =	sadd.s32 $0x6, s24;
	v12 =	vadd.f32 v12, v15;
	(pc) =	sbr.rel @p0 .LBB2_5-.Ltmp1, $4  }
0xa7: {  	v25 =	vmov s26;
	v22 =	vand.u32 $0x7C, v16;
	v26 =	vmov s25  }
0xa8: {  	v21 =	vand.u32 $0x7D, v23;
	v18 =	vand.u32 $0x7F, v25;
	v20 =	vand.u32 $0x7E, v26  }
0xa9: {  	v27 =	vshll.u32 v23, $0x3;
	v28 =	vshll.u32 v16, $0x3;
	v23 =	vshll.u32 v26, $0x3;
	v17 =	vld.idx.msk [tilespmem:v19+s2+$0x0], $0xffff;
	v15 =	vpop (erf)  }
0xaa: {  	s24 =	sadd.s32 $0x8, s24;
	v25 =	vshll.u32 v25, $0x3;
	v26 =	vand.u32 $0x1C00, v28;
	v19 =	vld.idx.msk [tilespmem:v24+s2+$0x0], $0xffff;
	v24 =	vand.u32 $0x1C00, v27;
	v16 =	vpop (erf)  }
0xab: {  	_ = 	snop  }
0xac: {  	v22 =	vor.u32 v26, v22  }
0xad: {  	v23 =	vand.u32 $0x1C00, v23;
	v21 =	vor.u32 v24, v21;
	v22 =	vor.u32 v0, v22  }
0xae: {  	v62 =	vand.u32 $0x1C00, v25;
	v20 =	vor.u32 v23, v20;
	v21 =	vor.u32 v0, v21  }
0xaf: {  	v14 =	vld.idx.msk [tilespmem:v14+s2+$0x0], $0xffff;
	v18 =	vor.u32 v62, v18;
	v20 =	vor.u32 v0, v20  }
0xb0: {  	v18 =	vor.u32 v0, v18  }
0xb1: {  	v13 =	vld.idx.msk [tilespmem:v13+s2+$0x0], $0xffff  }
0xb2: {  	v17 =	vsub.f32 v17, v8;
	v22 =	vld.idx.msk [tilespmem:v22+s2+$0x0], $0xffff  }
0xb3: {  	v19 =	vsub.f32 v19, v8;
	v21 =	vld.idx.msk [tilespmem:v21+s2+$0x0], $0xffff  }
0xb4: {  	v17 =	vmul.f32 $1.442695020e+00, v17;
	v14 =	vsub.f32 v14, v8;
	v20 =	vld.idx.msk [tilespmem:v20+s2+$0x0], $0xffff  }
0xb5: {  	v19 =	vmul.f32 $1.442695020e+00, v19;
	v18 =	vld.idx.msk [tilespmem:v18+s2+$0x0], $0xffff  }
0xb6: {  	v13 =	vsub.f32 v13, v8;
	v14 =	vmul.f32 $1.442695020e+00, v14;
	(erf) = vpow2.f32 v17  }
0xb7: {  	(erf) = vpow2.f32 v19;
	v17 =	vsub.f32 v22, v8  }
0xb8: {  	v13 =	vmul.f32 $1.442695020e+00, v13;
	(erf) = vpow2.f32 v14  }
0xb9: {  	v19 =	vsub.f32 v21, v8;
	v14 =	vmul.f32 $1.442695020e+00, v17;
	v17 =	vsub.f32 v20, v8  }
0xba: {  	(erf) = vpow2.f32 v13;
	v18 =	vsub.f32 v18, v8  }
0xbb: {  	v13 =	vmul.f32 $1.442695020e+00, v19;
	v17 =	vmul.f32 $1.442695020e+00, v17  }
0xbc: {  	(erf) = vpow2.f32 v14;
	v14 =	vmul.f32 $1.442695020e+00, v18  }
0xbd: {  	(erf) = vpow2.f32 v13  }
0xbe: {  	(erf) = vpow2.f32 v17;
	v17 =	vld [tilespmem:s23+$0x8000]  }
0xbf: {  	v13 =	vpop (erf);
	(erf) = vpow2.f32 v14  }
0xc0: {  	v14 =	vpop (erf)  }
0xc1: {  	v18 =	vpop (erf)  }
0xc2: {  	v19 =	vpop (erf)  }
0xc3: {  	v15 =	vadd.f32 v16, v15;
	v13 =	vadd.f32 v14, v13;
	v20 =	vpop (erf);
	v16 =	vshll.u32 v17, $0x3  }
0xc4: {  	v17 =	vand.u32 $0x7F, v17;
	v21 =	vpop (erf);
	v16 =	vand.u32 $0xFFFFFC00, v16  }
0xc5: {  	v11 =	vadd.f32 v12, v11;
	v12 =	vadd.f32 v13, v15;
	v14 =	vpop (erf);
	v15 =	vor.u32 v17, v16  }
0xc6: {  	v22 =	vpop (erf);
	v15 =	vadd.s32 v0, v15  }
0xc7: {  	v16 =	vadd.f32 v19, v18;
	v17 =	vadd.f32 v21, v20;
	v13 =	vpop (erf)  }
0xc8: {  	v9 =	vadd.f32 v11, v9;
	v14 =	vadd.f32 v22, v14;
	v18 =	vpop (erf)  }
0xc9: {  	v11 =	vadd.f32 v17, v16;
	v13 =	vadd.f32 v18, v13  }
0xca: {  	v10 =	vadd.f32 v12, v10  }
0xcb: {  	v9 =	vadd.f32 v11, v9;
	v12 =	vadd.f32 v13, v14;
	v11 =	vld.idx.msk [tilespmem:v15+s2+$0x0], $0xffff;
	_ =	sdelay $0x1  }
0xcc: {  	v10 =	vadd.f32 v12, v10;
	_ =	sdelay $0x1  }
0xcd: {  	[tilespmem:s23+$0x8200] =	vst v8;
	v9 =	vadd.f32 v10, v9  }
0xce: {  	s24 =	simm.s32 $0x8;
	[tilespmem:s23+$0x8600] =	vst v11  }
0xcf: {  	p0 =	seq.s32 s22, $0xF;
	s25 =	simm.s32 $0xF;
	v8 =	vmov s24;
	[tilespmem:s23+$0x8400] =	vst v9  }
0xd0: {  	s26 =	simm.s32 $0xE;
	v10 =	vshll.u32 v8, $0x3;
	s23 =	sadd.s32 @!p0 s23, s7;
	v9 =	vmov s25;
	_ =	swait.ge [sflag:s16], $0x4000  }
0xd1: {  	s28 =	simm.s32 $0xD;
	v8 =	vand.u32 $0x78, v8;
	v10 =	vand.u32 $0x1C00, v10;
	s23 =	sshll.u32 @!p0 s23, $0x7;
	v11 =	vshll.u32 v9, $0x3;
	[sflag:s16] =	ssyncset.done $0x0  }
0xd2: {  	s24 =	simm.s32 @!p0 $0x0;
	v8 =	vor.u32 v10, v8;
	v9 =	vand.u32 $0x7F, v9;
	s23 =	sadd.s32 @!p0 s4, s23;
	v10 =	vand.u32 $0x1C00, v11;
	[sflag:s16] =	ssyncadd.s32 $0xFFFFC000  }
0xd3: {  	v16 =	vor.u32 v0, v8;
	v11 =	vmov s28;
	v8 =	vor.u32 v10, v9;
	[tilespmem:s24], [sflag:$0x1] =	stream.linear.gather @!p0 [hbm4b:s23+s24], $0x4000, $0x38;
	[tilespmem:$0x8800] =	vst v63  }
0xd4: {  	v10 =	vmov s26;
	v13 =	vshll.u32 v11, $0x3;
	v15 =	vand.u32 $0x7D, v11;
	v9 =	vld.idx.msk [tilespmem:v0+s15+$0x0], $0xffff  }
0xd5: {  	v17 =	vor.u32 v0, v8;
	v12 =	vshll.u32 v10, $0x3;
	v13 =	vand.u32 $0x1C00, v13;
	v8 =	vld.idx.msk [tilespmem:v1+s15+$0x0], $0xffff  }
0xd6: {  	s29 =	simm.s32 $0xC;
	s30 =	simm.s32 $0xB;
	v14 =	vand.u32 $0x7E, v10;
	v12 =	vand.u32 $0x1C00, v12;
	v10 =	vld.idx.msk [tilespmem:v2+s15+$0x0], $0xffff;
	v13 =	vor.u32 v13, v15  }
0xd7: {  	v11 =	vld.idx.msk [tilespmem:v3+s15+$0x0], $0xffff;
	v15 =	vmov s30;
	v12 =	vor.u32 v12, v14;
	v14 =	vmov s29  }
0xd8: {  	v19 =	vor.u32 v0, v13;
	v13 =	vld.idx.msk [tilespmem:v5+s15+$0x0], $0xffff;
	v21 =	vshll.u32 v15, $0x3;
	v20 =	vshll.u32 v14, $0x3  }
0xd9: {  	v23 =	vand.u32 $0x7B, v15;
	v15 =	vld.idx.msk [tilespmem:v7+s15+$0x0], $0xffff;
	v22 =	vand.u32 $0x7C, v14;
	v20 =	vand.u32 $0x1C00, v20  }
0xda: {  	s31 =	simm.s32 $0xA;
	v18 =	vor.u32 v0, v12;
	v12 =	vld.idx.msk [tilespmem:v4+s15+$0x0], $0xffff;
	v63 =	vand.u32 $0x1C00, v21;
	v20 =	vor.u32 v20, v22  }
0xdb: {  	s22 =	sadd.s32 $0x1, s22;
	s24 =	simm.s32 $0x9;
	s23 =	simm.s32 $0x10;
	v14 =	vld.idx.msk [tilespmem:v6+s15+$0x0], $0xffff;
	v21 =	vmov s31;
	v22 =	vor.u32 v63, v23;
	v20 =	vor.u32 v0, v20  }
.LBB2_7:
0xdc: {  	p0 =	slt.u32 s23, $0x3E0;
	v23 =	vmov s24;
	v24 =	vshll.u32 v21, $0x3;
	v22 =	vor.u32 v0, v22  }
0xdd: {  	v21 =	vand.u32 $0x7A, v21;
	v25 =	vshll.u32 v23, $0x3;
	v24 =	vand.u32 $0x1C00, v24  }
0xde: {  	v26 =	vld.idx.msk [tilespmem:v16+s15+$0x0], $0xffff;
	v16 =	vand.u32 $0x79, v23;
	v23 =	vand.u32 $0x1C00, v25;
	v21 =	vor.u32 v24, v21  }
0xdf: {  	s24 =	sadd.s32 $0x7, s23;
	v24 =	vmov s23;
	v16 =	vor.u32 v23, v16;
	v21 =	vor.u32 v0, v21;
	v23 =	vld.idx.msk [tilespmem:v17+s15+$0x0], $0xffff  }
0xe0: {  	v25 =	vmov s24;
	v17 =	vshll.u32 v24, $0x3;
	v27 =	vor.u32 v0, v16;
	v28 =	vld.idx.msk [tilespmem:v18+s15+$0x0], $0xffff  }
0xe1: {  	v16 =	vand.u32 $0x78, v24;
	v17 =	vand.u32 $0x1C00, v17;
	v18 =	vshll.u32 v25, $0x3;
	v24 =	vld.idx.msk [tilespmem:v19+s15+$0x0], $0xffff  }
0xe2: {  	v16 =	vor.u32 v17, v16;
	v17 =	vand.u32 $0x7F, v25;
	v18 =	vand.u32 $0x1C00, v18;
	v20 =	vld.idx.msk [tilespmem:v20+s15+$0x0], $0xffff  }
0xe3: {  	s24 =	sadd.s32 $0x6, s23;
	v16 =	vor.u32 v0, v16;
	v17 =	vor.u32 v18, v17;
	v22 =	vld.idx.msk [tilespmem:v22+s15+$0x0], $0xffff  }
0xe4: {  	s25 =	sadd.s32 $0x5, s23;
	v18 =	vmov s24;
	v17 =	vor.u32 v0, v17;
	v9 =	vmax.f32 v9, v26;
	v21 =	vld.idx.msk [tilespmem:v21+s15+$0x0], $0xffff  }
0xe5: {  	v19 =	vmov s25;
	v25 =	vshll.u32 v18, $0x3;
	v15 =	vmax.f32 v15, v23;
	v26 =	vld.idx.msk [tilespmem:v27+s15+$0x0], $0xffff  }
0xe6: {  	v18 =	vand.u32 $0x7E, v18;
	v23 =	vshll.u32 v19, $0x3;
	v25 =	vand.u32 $0x1C00, v25  }
0xe7: {  	v19 =	vand.u32 $0x7D, v19;
	v23 =	vand.u32 $0x1C00, v23;
	v18 =	vor.u32 v25, v18  }
0xe8: {  	s24 =	sadd.s32 $0x4, s23;
	v14 =	vmax.f32 v14, v28;
	v19 =	vor.u32 v23, v19;
	v18 =	vor.u32 v0, v18  }
0xe9: {  	s25 =	sadd.s32 $0x3, s23;
	v23 =	vmov s24;
	v13 =	vmax.f32 v13, v24;
	v19 =	vor.u32 v0, v19  }
.Ltmp2:
0xea: {  	v24 =	vmov s25;
	v25 =	vshll.u32 v23, $0x3;
	v12 =	vmax.f32 v12, v20;
	(pc) =	sbr.rel @p0 .LBB2_7-.Ltmp2, $4  }
0xeb: {  	v11 =	vmax.f32 v11, v22;
	v10 =	vmax.f32 v10, v21;
	v8 =	vmax.f32 v8, v26  }
0xec: {  	v20 =	vshll.u32 v24, $0x3;
	v22 =	vand.u32 $0x1C00, v25;
	v21 =	vand.u32 $0x7C, v23  }
0xed: {  	s25 =	sadd.s32 $0x2, s23;
	v20 =	vand.u32 $0x1C00, v20;
	v23 =	vand.u32 $0x7B, v24;
	v24 =	vor.u32 v22, v21  }
0xee: {  	s24 =	sadd.s32 $0x1, s23;
	s23 =	sadd.s32 $0x8, s23;
	v21 =	vmov s25;
	v22 =	vor.u32 v20, v23;
	v20 =	vor.u32 v0, v24  }
0xef: {  	_ = 	snop  }
0xf0: {  	v23 =	vmov s24  }
0xf1: {  	v24 =	vshll.u32 v21, $0x3;
	v25 =	vshll.u32 v23, $0x3  }
0xf2: {  	v22 =	vor.u32 v0, v22;
	v23 =	vand.u32 $0x79, v23;
	v25 =	vand.u32 $0x1C00, v25  }
0xf3: {  	v21 =	vand.u32 $0x7A, v21;
	v16 =	vld.idx.msk [tilespmem:v16+s15+$0x0], $0xffff;
	v24 =	vand.u32 $0x1C00, v24;
	v23 =	vor.u32 v25, v23  }
0xf4: {  	v17 =	vld.idx.msk [tilespmem:v17+s15+$0x0], $0xffff;
	v21 =	vor.u32 v24, v21;
	v23 =	vor.u32 v0, v23  }
0xf5: {  	v18 =	vld.idx.msk [tilespmem:v18+s15+$0x0], $0xffff;
	v21 =	vor.u32 v0, v21  }
0xf6: {  	v19 =	vld.idx.msk [tilespmem:v19+s15+$0x0], $0xffff  }
0xf7: {  	v20 =	vld.idx.msk [tilespmem:v20+s15+$0x0], $0xffff  }
0xf8: {  	v22 =	vld.idx.msk [tilespmem:v22+s15+$0x0], $0xffff  }
0xf9: {  	v23 =	vld.idx.msk [tilespmem:v23+s15+$0x0], $0xffff  }
0xfa: {  	v21 =	vld.idx.msk [tilespmem:v21+s15+$0x0], $0xffff;
	_ =	sdelay $0x1  }
0xfb: {  	v9 =	vmax.f32 v9, v16  }
0xfc: {  	s30 =	simm.s32 $0x7;
	v15 =	vmax.f32 v15, v17;
	v14 =	vmax.f32 v14, v18;
	v13 =	vmax.f32 v13, v19  }
0xfd: {  	v12 =	vmax.f32 v12, v20;
	v17 =	vmov s30;
	v8 =	vmax.f32 v8, v23  }
0xfe: {  	v11 =	vmax.f32 v11, v22;
	v10 =	vmax.f32 v10, v21;
	v8 =	vmax.f32 v9, v8  }
0xff: {  	s24 =	simm.s32 $0x2;
	s25 =	simm.s32 $0x3;
	v9 =	vmax.f32 v10, v11;
	v10 =	vmax.f32 v12, v13;
	v11 =	vmax.f32 v14, v15  }
0x100: {  	s23 =	simm.s32 $0x0;
	s31 =	simm.s32 $0x1;
	v12 =	vmov s24;
	v13 =	vmov s25;
	v8 =	vmax.f32 v8, v9  }
0x101: {  	v9 =	vmax.f32 v10, v11;
	v10 =	vmov s23;
	v11 =	vmov s31  }
0x102: {  	v15 =	vand.u32 $0x7A, v12;
	v16 =	vand.u32 $0x7B, v13;
	v12 =	vshll.u32 v12, $0x3  }
0x103: {  	v8 =	vmax.f32 v8, v9;
	v9 =	vand.u32 $0x78, v10;
	v10 =	vshll.u32 v10, $0x3  }
0x104: {  	v14 =	vand.u32 $0x79, v11;
	v11 =	vshll.u32 v11, $0x3;
	v10 =	vand.u32 $0x1C00, v10  }
0x105: {  	v13 =	vshll.u32 v13, $0x3;
	v9 =	vor.u32 v10, v9;
	v10 =	vand.u32 $0x1C00, v11  }
0x106: {  	v11 =	vand.u32 $0x1C00, v12;
	v10 =	vor.u32 v10, v14;
	v9 =	vor.u32 v0, v9  }
0x107: {  	s26 =	simm.s32 $0x4;
	v12 =	vand.u32 $0x1C00, v13;
	v11 =	vor.u32 v11, v15;
	v10 =	vor.u32 v0, v10  }
0x108: {  	v13 =	vmov s26;
	v12 =	vor.u32 v12, v16;
	v11 =	vor.u32 v0, v11  }
0x109: {  	v15 =	vand.u32 $0x7C, v13;
	v13 =	vshll.u32 v13, $0x3;
	v12 =	vor.u32 v0, v12  }
0x10a: {  	s28 =	simm.s32 $0x5;
	s29 =	simm.s32 $0x6;
	v20 =	vand.u32 $0x7F, v17;
	v13 =	vand.u32 $0x1C00, v13  }
0x10b: {  	v14 =	vmov s28;
	v16 =	vmov s29;
	v13 =	vor.u32 v13, v15;
	v21 =	vld.idx.msk [tilespmem:v9+s15+$0x0], $0xffff  }
0x10c: {  	v18 =	vand.u32 $0x7D, v14;
	v13 =	vor.u32 v0, v13;
	v9 =	vshll.u32 v14, $0x3;
	v10 =	vld.idx.msk [tilespmem:v10+s15+$0x0], $0xffff  }
0x10d: {  	v19 =	vand.u32 $0x7E, v16;
	v14 =	vshll.u32 v16, $0x3;
	v9 =	vand.u32 $0x1C00, v9;
	v11 =	vld.idx.msk [tilespmem:v11+s15+$0x0], $0xffff  }
0x10e: {  	v16 =	vshll.u32 v17, $0x3;
	v14 =	vand.u32 $0x1C00, v14;
	v12 =	vld.idx.msk [tilespmem:v12+s15+$0x0], $0xffff;
	v9 =	vor.u32 v9, v18  }
0x10f: {  	v15 =	vand.u32 $0x1C00, v16;
	v14 =	vor.u32 v14, v19;
	v16 =	vor.u32 v0, v9  }
0x110: {  	s31 =	simm.s32 $0x8;
	v15 =	vor.u32 v15, v20;
	v14 =	vor.u32 v0, v14  }
0x111: {  	v17 =	vmov s31;
	v15 =	vor.u32 v0, v15;
	v13 =	vld.idx.msk [tilespmem:v13+s15+$0x0], $0xffff  }
0x112: {  	v19 =	vand.u32 $0x78, v17;
	v18 =	vsub.f32 v21, v8;
	v10 =	vsub.f32 v10, v8  }
0x113: {  	s24 =	simm.s32 $0x9;
	v17 =	vshll.u32 v17, $0x3;
	v11 =	vsub.f32 v11, v8;
	v12 =	vsub.f32 v12, v8  }
0x114: {  	s25 =	simm.s32 $0xA;
	v20 =	vmov s24;
	v18 =	vmul.f32 $1.442695020e+00, v18;
	v16 =	vld.idx.msk [tilespmem:v16+s15+$0x0], $0xffff;
	v10 =	vmul.f32 $1.442695020e+00, v10  }
0x115: {  	s26 =	simm.s32 $0xB;
	v21 =	vmov s25;
	v14 =	vld.idx.msk [tilespmem:v14+s15+$0x0], $0xffff;
	v11 =	vmul.f32 $1.442695020e+00, v11;
	v12 =	vmul.f32 $1.442695020e+00, v12  }
0x116: {  	v15 =	vld.idx.msk [tilespmem:v15+s15+$0x0], $0xffff;
	v13 =	vsub.f32 v13, v8;
	(erf) = vpow2.f32 v18;
	v18 =	vmov s26  }
0x117: {  	(erf) = vpow2.f32 v10;
	v10 =	vand.u32 $0x1C00, v17;
	v17 =	vand.u32 $0x79, v20  }
0x118: {  	v13 =	vmul.f32 $1.442695020e+00, v13;
	(erf) = vpow2.f32 v11;
	v11 =	vand.u32 $0x7A, v21  }
0x119: {  	v21 =	vshll.u32 v21, $0x3;
	v10 =	vor.u32 v10, v19;
	(erf) = vpow2.f32 v12  }
0x11a: {  	v12 =	vshll.u32 v20, $0x3;
	v20 =	vand.u32 $0x7B, v18;
	v16 =	vsub.f32 v16, v8  }
0x11b: {  	v18 =	vshll.u32 v18, $0x3;
	v14 =	vsub.f32 v14, v8;
	v15 =	vsub.f32 v15, v8  }
0x11c: {  	(erf) = vpow2.f32 v13;
	v12 =	vand.u32 $0x1C00, v12;
	v16 =	vmul.f32 $1.442695020e+00, v16  }
0x11d: {  	v12 =	vor.u32 v12, v17;
	v14 =	vmul.f32 $1.442695020e+00, v14;
	v13 =	vmul.f32 $1.442695020e+00, v15  }
0x11e: {  	v15 =	vand.u32 $0x1C00, v21;
	(erf) = vpow2.f32 v16;
	v16 =	vand.u32 $0x1C00, v18  }
0x11f: {  	v19 =	vor.u32 v0, v12;
	v18 =	vpop (erf);
	(erf) = vpow2.f32 v14;
	v12 =	vor.u32 v16, v20  }
0x120: {  	s29 =	simm.s32 $0xD;
	s31 =	simm.s32 $0xF;
	v10 =	vor.u32 v0, v10;
	v17 =	vpop (erf);
	(erf) = vpow2.f32 v13  }
0x121: {  	v23 =	vmov s29;
	v25 =	vmov s31;
	v11 =	vor.u32 v15, v11;
	v15 =	vpop (erf)  }
0x122: {  	s30 =	simm.s32 $0xE;
	s28 =	simm.s32 $0xC;
	v9 =	vimm.f32 $0.0e+00;
	v21 =	vand.u32 $0x7D, v23;
	v13 =	vor.u32 v0, v12;
	v12 =	vpop (erf)  }
0x123: {  	v16 =	vmov s28;
	v12 =	vadd.f32 v12, v15;
	v15 =	vmov s30  }
0x124: {  	v14 =	vor.u32 v0, v11;
	v22 =	vand.u32 $0x7C, v16;
	v16 =	vshll.u32 v16, $0x3  }
0x125: {  	v11 =	vadd.f32 v17, v18;
	v18 =	vand.u32 $0x7F, v25;
	v17 =	vld.idx.msk [tilespmem:v10+s15+$0x0], $0xffff;
	v10 =	vshll.u32 v23, $0x3  }
0x126: {  	v26 =	vand.u32 $0x1C00, v16;
	v20 =	vand.u32 $0x7E, v15;
	v23 =	vshll.u32 v15, $0x3;
	v15 =	vpop (erf)  }
0x127: {  	s23 =	simm.s32 $0x10;
	v19 =	vld.idx.msk [tilespmem:v19+s15+$0x0], $0xffff;
	v25 =	vshll.u32 v25, $0x3;
	v24 =	vand.u32 $0x1C00, v10;
	v10 =	vimm.f32 $0.0e+00;
	v16 =	vpop (erf)  }
.LBB2_9:
0x128: {  	p0 =	slt.u32 s23, $0x3E0;
	v22 =	vor.u32 v26, v22;
	v27 =	vand.u32 $0x1C00, v23;
	v25 =	vand.u32 $0x1C00, v25;
	v26 =	vpop (erf)  }
0x129: {  	v21 =	vor.u32 v24, v21;
	v14 =	vld.idx.msk [tilespmem:v14+s15+$0x0], $0xffff;
	v22 =	vor.u32 v0, v22;
	v20 =	vor.u32 v27, v20;
	v23 =	vpop (erf)  }
0x12a: {  	v15 =	vadd.f32 v16, v15;
	v21 =	vor.u32 v0, v21;
	v13 =	vld.idx.msk [tilespmem:v13+s15+$0x0], $0xffff;
	v16 =	vadd.f32 v23, v26  }
0x12b: {  	v18 =	vor.u32 v25, v18;
	v20 =	vor.u32 v0, v20  }
0x12c: {  	v11 =	vadd.f32 v12, v11;
	v18 =	vor.u32 v0, v18;
	v12 =	vadd.f32 v16, v15  }
0x12d: {  	v15 =	vmov s23;
	v16 =	vsub.f32 v17, v8;
	v17 =	vsub.f32 v19, v8  }
0x12e: {  	v9 =	vadd.f32 v11, v9;
	v19 =	vand.u32 $0x78, v15;
	v22 =	vld.idx.msk [tilespmem:v22+s15+$0x0], $0xffff;
	v10 =	vadd.f32 v12, v10  }
0x12f: {  	s24 =	sadd.s32 $0x1, s23;
	v11 =	vshll.u32 v15, $0x3;
	v12 =	vmul.f32 $1.442695020e+00, v16;
	v14 =	vsub.f32 v14, v8;
	v15 =	vld.idx.msk [tilespmem:v21+s15+$0x0], $0xffff  }
0x130: {  	v16 =	vmov s24;
	s24 =	sadd.s32 $0x2, s23;
	v17 =	vmul.f32 $1.442695020e+00, v17;
	v13 =	vsub.f32 v13, v8;
	v20 =	vld.idx.msk [tilespmem:v20+s15+$0x0], $0xffff  }
0x131: {  	v21 =	vmov s24;
	s24 =	sadd.s32 $0x3, s23;
	v14 =	vmul.f32 $1.442695020e+00, v14;
	v18 =	vld.idx.msk [tilespmem:v18+s15+$0x0], $0xffff;
	(erf) = vpow2.f32 v12  }
0x132: {  	v12 =	vmov s24;
	v13 =	vmul.f32 $1.442695020e+00, v13;
	(erf) = vpow2.f32 v17  }
0x133: {  	v11 =	vand.u32 $0x1C00, v11;
	v17 =	vand.u32 $0x79, v16;
	(erf) = vpow2.f32 v14  }
0x134: {  	v14 =	vand.u32 $0x7A, v21;
	v22 =	vsub.f32 v22, v8;
	(erf) = vpow2.f32 v13  }
0x135: {  	v13 =	vshll.u32 v16, $0x3;
	v16 =	vand.u32 $0x7B, v12;
	v15 =	vsub.f32 v15, v8  }
0x136: {  	v21 =	vshll.u32 v21, $0x3;
	v22 =	vmul.f32 $1.442695020e+00, v22;
	v20 =	vsub.f32 v20, v8  }
0x137: {  	v12 =	vshll.u32 v12, $0x3;
	v15 =	vmul.f32 $1.442695020e+00, v15;
	v18 =	vsub.f32 v18, v8  }
0x138: {  	v11 =	vor.u32 v11, v19;
	v19 =	vmul.f32 $1.442695020e+00, v20;
	(erf) = vpow2.f32 v22  }
0x139: {  	v13 =	vand.u32 $0x1C00, v13;
	v18 =	vmul.f32 $1.442695020e+00, v18;
	(erf) = vpow2.f32 v15  }
0x13a: {  	v21 =	vand.u32 $0x1C00, v21;
	v12 =	vand.u32 $0x1C00, v12;
	v20 =	vpop (erf);
	(erf) = vpow2.f32 v19  }
0x13b: {  	v19 =	vor.u32 v0, v11;
	v11 =	vor.u32 v13, v17;
	v17 =	vpop (erf);
	(erf) = vpow2.f32 v18  }
0x13c: {  	v16 =	vor.u32 v12, v16;
	v24 =	vor.u32 v0, v11;
	v11 =	vor.u32 v21, v14;
	v15 =	vpop (erf)  }
0x13d: {  	s25 =	sadd.s32 $0x5, s23;
	s24 =	sadd.s32 $0x4, s23;
	v13 =	vor.u32 v0, v16;
	v14 =	vor.u32 v0, v11;
	v11 =	vadd.f32 v17, v20;
	v12 =	vpop (erf)  }
.Ltmp3:
0x13e: {  	v23 =	vmov s25;
	s25 =	sadd.s32 $0x7, s23;
	v16 =	vmov s24;
	s24 =	sadd.s32 $0x6, s23;
	v12 =	vadd.f32 v12, v15;
	(pc) =	sbr.rel @p0 .LBB2_9-.Ltmp3, $4  }
0x13f: {  	v25 =	vmov s25;
	v22 =	vand.u32 $0x7C, v16;
	v26 =	vmov s24  }
0x140: {  	v21 =	vand.u32 $0x7D, v23;
	v18 =	vand.u32 $0x7F, v25;
	v20 =	vand.u32 $0x7E, v26  }
0x141: {  	v27 =	vshll.u32 v23, $0x3;
	v28 =	vshll.u32 v16, $0x3;
	v23 =	vshll.u32 v26, $0x3;
	v17 =	vld.idx.msk [tilespmem:v19+s15+$0x0], $0xffff;
	v15 =	vpop (erf)  }
0x142: {  	s23 =	sadd.s32 $0x8, s23;
	v25 =	vshll.u32 v25, $0x3;
	v26 =	vand.u32 $0x1C00, v28;
	v19 =	vld.idx.msk [tilespmem:v24+s15+$0x0], $0xffff;
	v24 =	vand.u32 $0x1C00, v27;
	v16 =	vpop (erf)  }
0x143: {  	v22 =	vor.u32 v26, v22  }
0x144: {  	v23 =	vand.u32 $0x1C00, v23;
	v21 =	vor.u32 v24, v21;
	v22 =	vor.u32 v0, v22  }
0x145: {  	v38 =	vand.u32 $0x1C00, v25;
	v20 =	vor.u32 v23, v20;
	v21 =	vor.u32 v0, v21  }
0x146: {  	v18 =	vor.u32 v38, v18;
	v20 =	vor.u32 v0, v20  }
0x147: {  	v14 =	vld.idx.msk [tilespmem:v14+s15+$0x0], $0xffff;
	v18 =	vor.u32 v0, v18  }
0x148: {  	v13 =	vld.idx.msk [tilespmem:v13+s15+$0x0], $0xffff  }
0x149: {  	v22 =	vld.idx.msk [tilespmem:v22+s15+$0x0], $0xffff  }
0x14a: {  	v17 =	vsub.f32 v17, v8;
	v21 =	vld.idx.msk [tilespmem:v21+s15+$0x0], $0xffff  }
0x14b: {  	v19 =	vsub.f32 v19, v8;
	v20 =	vld.idx.msk [tilespmem:v20+s15+$0x0], $0xffff  }
0x14c: {  	v17 =	vmul.f32 $1.442695020e+00, v17;
	v14 =	vsub.f32 v14, v8;
	v18 =	vld.idx.msk [tilespmem:v18+s15+$0x0], $0xffff  }
0x14d: {  	v13 =	vsub.f32 v13, v8;
	v19 =	vmul.f32 $1.442695020e+00, v19  }
0x14e: {  	v14 =	vmul.f32 $1.442695020e+00, v14;
	(erf) = vpow2.f32 v17;
	v39 =	vsub.f32 v22, v8  }
0x14f: {  	v13 =	vmul.f32 $1.442695020e+00, v13;
	(erf) = vpow2.f32 v19;
	v40 =	vsub.f32 v21, v8  }
0x150: {  	(erf) = vpow2.f32 v14;
	v42 =	vsub.f32 v20, v8;
	v41 =	vmul.f32 $1.442695020e+00, v39  }
0x151: {  	(erf) = vpow2.f32 v13;
	v18 =	vsub.f32 v18, v8;
	v43 =	vmul.f32 $1.442695020e+00, v40  }
0x152: {  	v17 =	vmul.f32 $1.442695020e+00, v42;
	(erf) = vpow2.f32 v41  }
0x153: {  	v44 =	vmul.f32 $1.442695020e+00, v18;
	(erf) = vpow2.f32 v43  }
0x154: {  	v47 =	vld [tilespmem:s21+$0x8000];
	(erf) = vpow2.f32 v17  }
0x155: {  	v45 =	vpop (erf);
	(erf) = vpow2.f32 v44  }
0x156: {  	v46 =	vpop (erf)  }
0x157: {  	v48 =	vpop (erf)  }
0x158: {  	v49 =	vpop (erf)  }
0x159: {  	v15 =	vadd.f32 v16, v15;
	v53 =	vshll.u32 v47, $0x3;
	v50 =	vpop (erf)  }
0x15a: {  	v16 =	vand.u32 $0xFFFFFC00, v53;
	v13 =	vadd.f32 v46, v45;
	v17 =	vand.u32 $0x7F, v47;
	v51 =	vpop (erf)  }
0x15b: {  	v57 =	vor.u32 v17, v16;
	v52 =	vpop (erf)  }
0x15c: {  	v55 =	vadd.f32 v13, v15;
	v15 =	vadd.s32 v0, v57;
	v54 =	vpop (erf)  }
0x15d: {  	v11 =	vadd.f32 v12, v11;
	v56 =	vpop (erf)  }
0x15e: {  	v58 =	vadd.f32 v49, v48;
	v59 =	vadd.f32 v51, v50;
	v60 =	vpop (erf)  }
0x15f: {  	v14 =	vadd.f32 v54, v52;
	v13 =	vadd.f32 v60, v56  }
0x160: {  	v9 =	vadd.f32 v11, v9;
	v10 =	vadd.f32 v55, v10  }
0x161: {  	v61 =	vadd.f32 v59, v58;
	v63 =	vld.idx.msk [tilespmem:v15+s15+$0x0], $0xffff;
	v62 =	vadd.f32 v13, v14  }
0x162: {  	p0 =	sne.s32 s22, $0x10  }
.Ltmp4:
0x163: {  	v9 =	vadd.f32 v61, v9;
	v10 =	vadd.f32 v62, v10;
	(pc) =	sbr.rel @p0 .LBB2_2-.Ltmp4, $4  }
0x164: {  	_ = 	snop  }
0x165: {  	[tilespmem:s21+$0x8200] =	vst v8;
	v9 =	vadd.f32 v10, v9  }
0x166: {  	[tilespmem:s21+$0x8600] =	vst v63  }
0x167: {  	[tilespmem:s21+$0x8400] =	vst v9  }
0x168: {  	[hbm4b:s8+s2] =	stream.linear.scatter [tilespmem:s17], [sflag:$0x3], $0x200, $0x38;
	[tilespmem:$0x8800] =	vst v63  }
0x169: {  	_ =	swait.ge [sflag:s13], $0x200  }
0x16a: {  	[sflag:s13] =	ssyncset.done $0x0  }
0x16b: {  	[sflag:s13] =	ssyncadd.s32 $0xFFFFFE00  }
0x16c: {  	[hbm4b:s9+s2] =	stream.linear.scatter [tilespmem:s18], [sflag:$0x3], $0x200, $0x38;
	[tilespmem:$0x8800] =	vst v63  }
0x16d: {  	s20 =	sadd.s32 $0x1, s20;
	_ =	swait.ge [sflag:s13], $0x200  }
0x16e: {  	p0 =	sne.s32 s20, s11;
	[sflag:s13] =	ssyncset.done $0x0  }
.Ltmp5:
0x16f: {  	[sflag:s13] =	ssyncadd.s32 $0xFFFFFE00;
	(pc) =	sbr.rel @p0 .LBB2_1-.Ltmp5, $4  }
0x170: {  	[hbm4b:s10+s2] =	stream.linear.scatter [tilespmem:s19], [sflag:$0x3], $0x200, $0x38;
	[tilespmem:$0x8800] =	vst v63  }
0x171: {  	_ =	swait.ge [sflag:s13], $0x200  }
0x172: {  	[sflag:s13] =	ssyncset.done $0x0  }
0x173: {  	[sflag:s13] =	ssyncadd.s32 $0xFFFFFE00  }
0x174: {  	_ =	sfence.sel $0x180000  }
0x175: {  	[bflag:$0x0] =	sbarrier.arrive $0xFFFF  }
0x176: {  	p0 =	sne.s32 s1, $0x0;
	_ =	strace $0x90000047  }
0x177: {  	s0 =	sadd.s32 @!p0 $0x100000, s0;
	[bflag:$0x2] =	sbarrier.arrive $0xFFFF  }
0x178: {  	[sflag:s0] =	ssyncadd.tile.s32 @!p0 $0x1;
	_ =	shalt  }
.Lfunc_end2:
_tile_overlayer_lowered:
.L_overlay_start_2:
0x179: {  	(tag) =	ssettag $0x2  }
0x17a: {  	s0 =	rddreg [dreg:$0x0];
	s2 =	stileid.u32  }
0x17b: {  	s1 =	rddreg [dreg:$0x1];
	p0 =	sne.s32 s2, $0x0  }
0x17c: {  	s3 =	rddreg [dreg:$0x2];
	[bflag:$0x3] =	sbarrier.arrive $0xFFFF;
	s2 =	simm.s32 @!p0 $0x1C03  }
0x17d: {  	[timem:s3], [sflag:s2] =	dma.local @!p0 [hbm:s0], s1  }
0x17e: {  	s0 =	simm.s32 @!p0 $0x3  }
0x17f: {  	_ =	swait.ge @!p0 [sflag:s0], s1  }
0x180: {  	s1 =	ssub.s32 @!p0 $0x0, s1;
	[sflag:s0] =	ssyncset.done @!p0 $0x0  }
0x181: {  	[sflag:s0] =	ssyncadd.s32 @!p0 s1  }
0x182: {  	[bflag:$0x3] =	sbarrier.arrive $0xFFFF  }
0x183: {  	_ =	shalt  }

</sc_bundles>
